<compile_context>
chip_gen: v7x
topology: tpu7x:2x2x1
jax: 0.10.2.dev20260603
libtpu: 0.0.44.dev20260713+nightly
codegen_flags: <defaults>
</compile_context>

<pallas_src>
import functools

import jax
import jax.numpy as jnp
from jax import lax
from jax.experimental import pallas as pl
from jax.experimental.pallas import tpu as pltpu
from jax.experimental.pallas import tpu_sc as plsc

N = 10000
D = 128
G = 64

NC = 2
NS = 16
NW = NC * NS
CH = 320
NPAD = NW * CH
SEGP = 80
DUMMY = 64
REPL = 1
SSROWS = REPL * SEGP
ZR = SSROWS // NS
JCH = 80
NJ = CH // JCH
BROWS = NPAD // D


def _seg_body(x_hbm, b_hbm, sum_out, xv, idxv, zbuf, ssum, sx, si, so):
    c = lax.axis_index("c")
    s = lax.axis_index("s")
    wid = s * NC + c
    own = wid * CH
    base = jnp.minimum(own, N - CH)

    hi = [pltpu.async_copy(b_hbm.at[pl.ds(base + j * JCH, JCH)],
                           idxv.at[j], si)
          for j in range(NJ)]
    hx = [pltpu.async_copy(x_hbm.at[pl.ds(base + j * JCH, JCH)],
                           xv.at[pl.ds(j * JCH, JCH)], sx)
          for j in range(NJ)]

    def zrow(i, carry):
        for k in range(D // 16):
            zbuf[i, pl.ds(k * 16, 16)] = jnp.zeros((16,), jnp.float32)
        return carry
    lax.fori_loop(0, ZR, zrow, 0)
    pltpu.sync_copy(zbuf, ssum.at[pl.ds(s * ZR, ZR)])

    for h in hi:
        h.wait()

    off = (s % REPL) * SEGP if REPL > 1 else 0

    def fix(i, carry):
        j = i // (JCH // 16)
        k = i % (JCH // 16)
        v = idxv[j, pl.ds(k * 16, 16)]
        lane = lax.broadcasted_iota(jnp.int32, (16,), 0)
        gi = base + j * JCH + k * 16 + lane
        idxv[j, pl.ds(k * 16, 16)] = off + jnp.where(gi >= own, v,
                                                     DUMMY + lane)
        return carry
    lax.fori_loop(0, NJ * (JCH // 16), fix, 0)

    plsc.subcore_barrier()

    hs = []
    for j in range(NJ):
        hx[j].wait()
        hs.append(pltpu.async_copy(xv.at[pl.ds(j * JCH, JCH)],
                                   ssum.at[idxv.at[j]], so, add=True))
    for h in hs:
        h.wait()

    plsc.subcore_barrier()

    @pl.when(s == 0)
    def _emit():
        pltpu.sync_copy(ssum, sum_out.at[c])


@functools.partial(
    pl.kernel,
    mesh=plsc.VectorSubcoreMesh(core_axis_name="c", subcore_axis_name="s"),
    out_type=jax.ShapeDtypeStruct((NC, SSROWS, D), jnp.float32),
    scratch_types=[
        pltpu.VMEM((CH, D), jnp.float32),
        pltpu.VMEM((NJ, JCH), jnp.int32),
        pltpu.VMEM((ZR, D), jnp.float32),
        pltpu.VMEM_SHARED((SSROWS, D), jnp.float32),
        pltpu.SemaphoreType.DMA,
        pltpu.SemaphoreType.DMA,
        pltpu.SemaphoreType.DMA,
    ],
)
def _seg_kernel(x_hbm, b_hbm, sum_out, xv, idxv, zbuf, ssum, sx, si, so):
    _seg_body(x_hbm, b_hbm, sum_out, xv, idxv, zbuf, ssum, sx, si, so)


def _cnt_body(b2d_ref, cnt_ref):
    segs = lax.broadcasted_iota(jnp.int32, (G, D), 0)
    csum = jnp.zeros((G, D), jnp.float32)
    for r in range(BROWS):
        csum = csum + jnp.where(segs == b2d_ref[r:r + 1, :], 1.0, 0.0)
    cnt_ref[...] = jnp.sum(csum, axis=1, keepdims=True)


def _mlp_body(sum_ref, cnt_ref, u_ref, w1_ref, b1_ref, w2_ref, b2_ref,
              w3_ref, b3_ref, o_ref):
    seg = sum_ref[0, 0:G, :] + sum_ref[1, 0:G, :]
    mean = seg / jnp.maximum(cnt_ref[...], 1.0)
    h = jnp.concatenate([u_ref[...], mean], axis=1)
    dn = (((1,), (1,)), ((), ()))
    h = jnp.maximum(
        lax.dot_general(h, w1_ref[...], dn, precision=lax.Precision.DEFAULT,
                        preferred_element_type=jnp.float32) + b1_ref[...], 0.0)
    h = jnp.maximum(
        lax.dot_general(h, w2_ref[...], dn, precision=lax.Precision.DEFAULT,
                        preferred_element_type=jnp.float32) + b2_ref[...], 0.0)
    o_ref[...] = lax.dot_general(
        h, w3_ref[...], dn, precision=lax.Precision.DEFAULT,
        preferred_element_type=jnp.float32) + b3_ref[...]


def kernel(x, edge_index, u, batch, W1, b1, W2, b2, W3, b3):
    del edge_index
    sums = _seg_kernel(x, batch)
    b2d = jnp.pad(batch, (0, NPAD - N), constant_values=G).reshape(BROWS, D)
    cnt = pl.pallas_call(
        _cnt_body,
        out_shape=jax.ShapeDtypeStruct((G, 1), jnp.float32),
    )(b2d)
    out = pl.pallas_call(
        _mlp_body,
        out_shape=jax.ShapeDtypeStruct((G, W3.shape[0]), jnp.float32),
    )(sums, cnt, u, W1, b1.reshape(1, -1), W2, b2.reshape(1, -1),
      W3, b3.reshape(1, -1))
    return out

# --- scband reference (transcript-rebuilt; emitter-appended) ---
"""Pipeline reference for scband-global-net-25134148616721 (READ-ONLY COPY).

The authoritative reference and input builder live on the scoring server;
editing this copy changes nothing except your own understanding.
"""

import jax, jax.numpy as jnp
import numpy as np

N = 10000
E = 320000
D = 128
G = 64
ING = 128
H = 256
OUT = 128


def setup_inputs(seed: int = 0) -> dict:
    key = jax.random.key(seed)
    ks = jax.random.split(key, 10)
    x = jax.random.normal(ks[0], (N, D), dtype=jnp.float32)
    edge_index = jax.random.randint(ks[1], (2, E), 0, N, dtype=jnp.int32)
    u = jax.random.normal(ks[2], (G, ING), dtype=jnp.float32)
    batch = jnp.sort(jax.random.randint(ks[3], (N,), 0, G, dtype=jnp.int32))
    # MLP params (torch Linear convention: y = x @ W.T + b)
    W1 = jax.random.normal(ks[4], (H, D + ING), dtype=jnp.float32) * 0.05
    b1 = jnp.zeros((H,), dtype=jnp.float32)
    W2 = jax.random.normal(ks[5], (H, H), dtype=jnp.float32) * 0.05
    b2 = jnp.zeros((H,), dtype=jnp.float32)
    W3 = jax.random.normal(ks[6], (OUT, H), dtype=jnp.float32) * 0.05
    b3 = jnp.zeros((OUT,), dtype=jnp.float32)
    return {"x": x, "edge_index": edge_index, "u": u, "batch": batch,
            "W1": W1, "b1": b1, "W2": W2, "b2": b2, "W3": W3, "b3": b3}


def reference(x, edge_index, u, batch, W1, b1, W2, b2, W3, b3):
    # scatter(x, batch, reduce='mean') over G graphs
    num_segments = u.shape[0]
    seg_sum = jax.ops.segment_sum(x, batch, num_segments=num_segments)
    cnt = jax.ops.segment_sum(jnp.ones((x.shape[0], 1), dtype=x.dtype), batch,
                              num_segments=num_segments)
    seg_mean = seg_sum / jnp.maximum(cnt, 1.0)
    out = jnp.concatenate([u, seg_mean], axis=1)
    # global_mlp: Linear -> ReLU -> Linear -> ReLU -> Linear
    h = jax.nn.relu(out @ W1.T + b1)
    h = jax.nn.relu(h @ W2.T + b2)
    return h @ W3.T + b3

if __name__ == "__main__":
    import jax
    _d = setup_inputs()
    print(jax.jit(kernel)(*tuple(_d.values())))

</pallas_src>

<mosaic_0001>
#map = affine_map<(d0, d1) -> (0, 0)>
#map1 = affine_map<(d0, d1) -> (0)>
#map2 = affine_map<(d0, d1) -> (0, 0, 0)>
module attributes {stable_mosaic.version = 14 : i64} {
  func.func @_seg_kernel(%arg0: i32, %arg1: i32, %arg2: memref<10000x128xf32, #tpu.memory_space<hbm>>, %arg3: memref<10000xi32, #tpu.memory_space<hbm>>, %arg4: memref<2x80x128xf32, #tpu.memory_space<hbm>>, %arg5: memref<320x128xf32, #tpu.memory_space<vmem>>, %arg6: memref<4x80xi32, #tpu.memory_space<vmem>>, %arg7: memref<5x128xf32, #tpu.memory_space<vmem>>, %arg8: memref<80x128xf32, #tpu.memory_space<vmem_shared>>, %arg9: memref<!tpu.dma_semaphore, #tpu.memory_space<semaphore_mem>>, %arg10: memref<!tpu.dma_semaphore, #tpu.memory_space<semaphore_mem>>, %arg11: memref<!tpu.dma_semaphore, #tpu.memory_space<semaphore_mem>>) attributes {dimension_semantics = [#tpu.dimension_semantics<core_parallel>, #tpu.dimension_semantics<subcore_parallel>], iteration_bounds = array<i64: 2, 16>, scalar_prefetch = 0 : i64, scratch_operands = 7 : i64, tpu.core_type = #tpu.core_type<sc_vector_subcore>, window_params = [{transform_indices = #map}, {transform_indices = #map1}, {transform_indices = #map2}]} {
    %mul3A = arith.constant 2 : i32
    %mul3A_0 = arith.muli %arg1, %mul3A : i32
    %add3A = arith.addi %mul3A_0, %arg0 : i32
    %mul3A_1 = arith.constant 320 : i32
    %mul3A_2 = arith.muli %add3A, %mul3A_1 : i32
    %min3A = arith.constant 9680 : i32
    %min3A_3 = arith.minsi %mul3A_2, %min3A : i32
    %add3A_4 = arith.constant 0 : i32
    %add3A_5 = arith.addi %min3A_3, %add3A_4 : i32
    %dma_start3A = arith.constant 0 : i32
    %dma_start3A_6 = arith.constant 0 : i32
    %dma_start3A_7 = tpu.memref_slice %arg6[%dma_start3A, %dma_start3A_6] : memref<4x80xi32, #tpu.memory_space<vmem>> -> memref<1x80xi32, #tpu.memory_space<vmem>>
    %dma_start3A_8 = tpu.memref_squeeze %dma_start3A_7 : memref<1x80xi32, #tpu.memory_space<vmem>> -> memref<80xi32, #tpu.memory_space<vmem>>
    %dma_start3A_9 = tpu.memref_slice %arg3[%add3A_5] : memref<10000xi32, #tpu.memory_space<hbm>> -> memref<80xi32, #tpu.memory_space<hbm>>
    %dma_start3A_10 = arith.constant 0 : i32
    %dma_start3A_11 = tpu.memref_slice %arg6[%dma_start3A, %dma_start3A_10] : memref<4x80xi32, #tpu.memory_space<vmem>> -> memref<1x80xi32, #tpu.memory_space<vmem>>
    %dma_start3A_12 = tpu.memref_squeeze %dma_start3A_11 : memref<1x80xi32, #tpu.memory_space<vmem>> -> memref<80xi32, #tpu.memory_space<vmem>>
    %dma_start3A_13 = tpu.memref_slice %arg3[%add3A_5] : memref<10000xi32, #tpu.memory_space<hbm>> -> memref<80xi32, #tpu.memory_space<hbm>>
    tpu.enqueue_dma source(%dma_start3A_13 : memref<80xi32, #tpu.memory_space<hbm>>) target(%dma_start3A_12 : memref<80xi32, #tpu.memory_space<vmem>>) target_semaphore(%arg10 : memref<!tpu.dma_semaphore, #tpu.memory_space<semaphore_mem>>)
    %add3A_14 = arith.constant 80 : i32
    %add3A_15 = arith.addi %min3A_3, %add3A_14 : i32
    %dma_start3A_16 = arith.constant 1 : i32
    %dma_start3A_17 = arith.constant 0 : i32
    %dma_start3A_18 = tpu.memref_slice %arg6[%dma_start3A_16, %dma_start3A_17] : memref<4x80xi32, #tpu.memory_space<vmem>> -> memref<1x80xi32, #tpu.memory_space<vmem>>
    %dma_start3A_19 = tpu.memref_squeeze %dma_start3A_18 : memref<1x80xi32, #tpu.memory_space<vmem>> -> memref<80xi32, #tpu.memory_space<vmem>>
    %dma_start3A_20 = tpu.memref_slice %arg3[%add3A_15] : memref<10000xi32, #tpu.memory_space<hbm>> -> memref<80xi32, #tpu.memory_space<hbm>>
    %dma_start3A_21 = arith.constant 0 : i32
    %dma_start3A_22 = tpu.memref_slice %arg6[%dma_start3A_16, %dma_start3A_21] : memref<4x80xi32, #tpu.memory_space<vmem>> -> memref<1x80xi32, #tpu.memory_space<vmem>>
    %dma_start3A_23 = tpu.memref_squeeze %dma_start3A_22 : memref<1x80xi32, #tpu.memory_space<vmem>> -> memref<80xi32, #tpu.memory_space<vmem>>
    %dma_start3A_24 = tpu.memref_slice %arg3[%add3A_15] : memref<10000xi32, #tpu.memory_space<hbm>> -> memref<80xi32, #tpu.memory_space<hbm>>
    tpu.enqueue_dma source(%dma_start3A_24 : memref<80xi32, #tpu.memory_space<hbm>>) target(%dma_start3A_23 : memref<80xi32, #tpu.memory_space<vmem>>) target_semaphore(%arg10 : memref<!tpu.dma_semaphore, #tpu.memory_space<semaphore_mem>>)
    %add3A_25 = arith.constant 160 : i32
    %add3A_26 = arith.addi %min3A_3, %add3A_25 : i32
    %dma_start3A_27 = arith.constant 2 : i32
    %dma_start3A_28 = arith.constant 0 : i32
    %dma_start3A_29 = tpu.memref_slice %arg6[%dma_start3A_27, %dma_start3A_28] : memref<4x80xi32, #tpu.memory_space<vmem>> -> memref<1x80xi32, #tpu.memory_space<vmem>>
    %dma_start3A_30 = tpu.memref_squeeze %dma_start3A_29 : memref<1x80xi32, #tpu.memory_space<vmem>> -> memref<80xi32, #tpu.memory_space<vmem>>
    %dma_start3A_31 = tpu.memref_slice %arg3[%add3A_26] : memref<10000xi32, #tpu.memory_space<hbm>> -> memref<80xi32, #tpu.memory_space<hbm>>
    %dma_start3A_32 = arith.constant 0 : i32
    %dma_start3A_33 = tpu.memref_slice %arg6[%dma_start3A_27, %dma_start3A_32] : memref<4x80xi32, #tpu.memory_space<vmem>> -> memref<1x80xi32, #tpu.memory_space<vmem>>
    %dma_start3A_34 = tpu.memref_squeeze %dma_start3A_33 : memref<1x80xi32, #tpu.memory_space<vmem>> -> memref<80xi32, #tpu.memory_space<vmem>>
    %dma_start3A_35 = tpu.memref_slice %arg3[%add3A_26] : memref<10000xi32, #tpu.memory_space<hbm>> -> memref<80xi32, #tpu.memory_space<hbm>>
    tpu.enqueue_dma source(%dma_start3A_35 : memref<80xi32, #tpu.memory_space<hbm>>) target(%dma_start3A_34 : memref<80xi32, #tpu.memory_space<vmem>>) target_semaphore(%arg10 : memref<!tpu.dma_semaphore, #tpu.memory_space<semaphore_mem>>)
    %add3A_36 = arith.constant 240 : i32
    %add3A_37 = arith.addi %min3A_3, %add3A_36 : i32
    %dma_start3A_38 = arith.constant 3 : i32
    %dma_start3A_39 = arith.constant 0 : i32
    %dma_start3A_40 = tpu.memref_slice %arg6[%dma_start3A_38, %dma_start3A_39] : memref<4x80xi32, #tpu.memory_space<vmem>> -> memref<1x80xi32, #tpu.memory_space<vmem>>
    %dma_start3A_41 = tpu.memref_squeeze %dma_start3A_40 : memref<1x80xi32, #tpu.memory_space<vmem>> -> memref<80xi32, #tpu.memory_space<vmem>>
    %dma_start3A_42 = tpu.memref_slice %arg3[%add3A_37] : memref<10000xi32, #tpu.memory_space<hbm>> -> memref<80xi32, #tpu.memory_space<hbm>>
    %dma_start3A_43 = arith.constant 0 : i32
    %dma_start3A_44 = tpu.memref_slice %arg6[%dma_start3A_38, %dma_start3A_43] : memref<4x80xi32, #tpu.memory_space<vmem>> -> memref<1x80xi32, #tpu.memory_space<vmem>>
    %dma_start3A_45 = tpu.memref_squeeze %dma_start3A_44 : memref<1x80xi32, #tpu.memory_space<vmem>> -> memref<80xi32, #tpu.memory_space<vmem>>
    %dma_start3A_46 = tpu.memref_slice %arg3[%add3A_37] : memref<10000xi32, #tpu.memory_space<hbm>> -> memref<80xi32, #tpu.memory_space<hbm>>
    tpu.enqueue_dma source(%dma_start3A_46 : memref<80xi32, #tpu.memory_space<hbm>>) target(%dma_start3A_45 : memref<80xi32, #tpu.memory_space<vmem>>) target_semaphore(%arg10 : memref<!tpu.dma_semaphore, #tpu.memory_space<semaphore_mem>>)
    %add3A_47 = arith.constant 0 : i32
    %add3A_48 = arith.addi %min3A_3, %add3A_47 : i32
    %dma_start3A_49 = arith.constant 0 : i32
    %dma_start3A_50 = arith.constant 0 : i32
    %dma_start3A_51 = tpu.memref_slice %arg5[%dma_start3A_49, %dma_start3A_50] : memref<320x128xf32, #tpu.memory_space<vmem>> -> memref<80x128xf32, #tpu.memory_space<vmem>>
    %dma_start3A_52 = arith.constant 0 : i32
    %dma_start3A_53 = tpu.memref_slice %arg2[%add3A_48, %dma_start3A_52] : memref<10000x128xf32, #tpu.memory_space<hbm>> -> memref<80x128xf32, #tpu.memory_space<hbm>>
    %dma_start3A_54 = arith.constant 0 : i32
    %dma_start3A_55 = arith.constant 0 : i32
    %dma_start3A_56 = tpu.memref_slice %arg5[%dma_start3A_54, %dma_start3A_55] : memref<320x128xf32, #tpu.memory_space<vmem>> -> memref<80x128xf32, #tpu.memory_space<vmem>>
    %dma_start3A_57 = arith.constant 0 : i32
    %dma_start3A_58 = tpu.memref_slice %arg2[%add3A_48, %dma_start3A_57] : memref<10000x128xf32, #tpu.memory_space<hbm>> -> memref<80x128xf32, #tpu.memory_space<hbm>>
    tpu.enqueue_dma source(%dma_start3A_58 : memref<80x128xf32, #tpu.memory_space<hbm>>) target(%dma_start3A_56 : memref<80x128xf32, #tpu.memory_space<vmem>>) target_semaphore(%arg9 : memref<!tpu.dma_semaphore, #tpu.memory_space<semaphore_mem>>)
    %add3A_59 = arith.constant 80 : i32
    %add3A_60 = arith.addi %min3A_3, %add3A_59 : i32
    %dma_start3A_61 = arith.constant 80 : i32
    %dma_start3A_62 = arith.constant 0 : i32
    %dma_start3A_63 = tpu.memref_slice %arg5[%dma_start3A_61, %dma_start3A_62] : memref<320x128xf32, #tpu.memory_space<vmem>> -> memref<80x128xf32, #tpu.memory_space<vmem>>
    %dma_start3A_64 = arith.constant 0 : i32
    %dma_start3A_65 = tpu.memref_slice %arg2[%add3A_60, %dma_start3A_64] : memref<10000x128xf32, #tpu.memory_space<hbm>> -> memref<80x128xf32, #tpu.memory_space<hbm>>
    %dma_start3A_66 = arith.constant 80 : i32
    %dma_start3A_67 = arith.constant 0 : i32
    %dma_start3A_68 = tpu.memref_slice %arg5[%dma_start3A_66, %dma_start3A_67] : memref<320x128xf32, #tpu.memory_space<vmem>> -> memref<80x128xf32, #tpu.memory_space<vmem>>
    %dma_start3A_69 = arith.constant 0 : i32
    %dma_start3A_70 = tpu.memref_slice %arg2[%add3A_60, %dma_start3A_69] : memref<10000x128xf32, #tpu.memory_space<hbm>> -> memref<80x128xf32, #tpu.memory_space<hbm>>
    tpu.enqueue_dma source(%dma_start3A_70 : memref<80x128xf32, #tpu.memory_space<hbm>>) target(%dma_start3A_68 : memref<80x128xf32, #tpu.memory_space<vmem>>) target_semaphore(%arg9 : memref<!tpu.dma_semaphore, #tpu.memory_space<semaphore_mem>>)
    %add3A_71 = arith.constant 160 : i32
    %add3A_72 = arith.addi %min3A_3, %add3A_71 : i32
    %dma_start3A_73 = arith.constant 160 : i32
    %dma_start3A_74 = arith.constant 0 : i32
    %dma_start3A_75 = tpu.memref_slice %arg5[%dma_start3A_73, %dma_start3A_74] : memref<320x128xf32, #tpu.memory_space<vmem>> -> memref<80x128xf32, #tpu.memory_space<vmem>>
    %dma_start3A_76 = arith.constant 0 : i32
    %dma_start3A_77 = tpu.memref_slice %arg2[%add3A_72, %dma_start3A_76] : memref<10000x128xf32, #tpu.memory_space<hbm>> -> memref<80x128xf32, #tpu.memory_space<hbm>>
    %dma_start3A_78 = arith.constant 160 : i32
    %dma_start3A_79 = arith.constant 0 : i32
    %dma_start3A_80 = tpu.memref_slice %arg5[%dma_start3A_78, %dma_start3A_79] : memref<320x128xf32, #tpu.memory_space<vmem>> -> memref<80x128xf32, #tpu.memory_space<vmem>>
    %dma_start3A_81 = arith.constant 0 : i32
    %dma_start3A_82 = tpu.memref_slice %arg2[%add3A_72, %dma_start3A_81] : memref<10000x128xf32, #tpu.memory_space<hbm>> -> memref<80x128xf32, #tpu.memory_space<hbm>>
    tpu.enqueue_dma source(%dma_start3A_82 : memref<80x128xf32, #tpu.memory_space<hbm>>) target(%dma_start3A_80 : memref<80x128xf32, #tpu.memory_space<vmem>>) target_semaphore(%arg9 : memref<!tpu.dma_semaphore, #tpu.memory_space<semaphore_mem>>)
    %add3A_83 = arith.constant 240 : i32
    %add3A_84 = arith.addi %min3A_3, %add3A_83 : i32
    %dma_start3A_85 = arith.constant 240 : i32
    %dma_start3A_86 = arith.constant 0 : i32
    %dma_start3A_87 = tpu.memref_slice %arg5[%dma_start3A_85, %dma_start3A_86] : memref<320x128xf32, #tpu.memory_space<vmem>> -> memref<80x128xf32, #tpu.memory_space<vmem>>
    %dma_start3A_88 = arith.constant 0 : i32
    %dma_start3A_89 = tpu.memref_slice %arg2[%add3A_84, %dma_start3A_88] : memref<10000x128xf32, #tpu.memory_space<hbm>> -> memref<80x128xf32, #tpu.memory_space<hbm>>
    %dma_start3A_90 = arith.constant 240 : i32
    %dma_start3A_91 = arith.constant 0 : i32
    %dma_start3A_92 = tpu.memref_slice %arg5[%dma_start3A_90, %dma_start3A_91] : memref<320x128xf32, #tpu.memory_space<vmem>> -> memref<80x128xf32, #tpu.memory_space<vmem>>
    %dma_start3A_93 = arith.constant 0 : i32
    %dma_start3A_94 = tpu.memref_slice %arg2[%add3A_84, %dma_start3A_93] : memref<10000x128xf32, #tpu.memory_space<hbm>> -> memref<80x128xf32, #tpu.memory_space<hbm>>
    tpu.enqueue_dma source(%dma_start3A_94 : memref<80x128xf32, #tpu.memory_space<hbm>>) target(%dma_start3A_92 : memref<80x128xf32, #tpu.memory_space<vmem>>) target_semaphore(%arg9 : memref<!tpu.dma_semaphore, #tpu.memory_space<semaphore_mem>>)
    %scan3A = arith.constant 0 : i32
    %scan3A_95 = arith.constant 0 : i32
    %scan3A_96 = arith.constant 5 : i32
    %scan3A_97 = arith.addi %scan3A_95, %scan3A_96 : i32
    %scan3A_98 = arith.constant 1 : i32
    scf.for %scan3A_266 = %scan3A_95 to %scan3A_97 step %scan3A_98  : i32 {
      %broadcast_in_dim3A = arith.constant 0.000000e+00 : f32
      %broadcast_in_dim3A_267 = vector.broadcast %broadcast_in_dim3A : f32 to vector<16xf32>
      %swap3A = arith.index_cast %scan3A_266 : i32 to index
      %swap3A_268 = arith.constant 0 : index
      %swap3A_269 = tpu.vector_load %arg7[%swap3A, %swap3A_268] {strides = array<i32>} : memref<5x128xf32, #tpu.memory_space<vmem>>, vector<1x16xf32>,
      %swap3A_270 = vector.shape_cast %swap3A_269 : vector<1x16xf32> to vector<16xf32>
      %swap3A_271 = vector.shape_cast %broadcast_in_dim3A_267 : vector<16xf32> to vector<1x16xf32>
      tpu.vector_store %arg7[%swap3A, %swap3A_268], %swap3A_271 {strides = array<i32>} : memref<5x128xf32, #tpu.memory_space<vmem>>, vector<1x16xf32>,
      %broadcast_in_dim3A_272 = arith.constant 0.000000e+00 : f32
      %broadcast_in_dim3A_273 = vector.broadcast %broadcast_in_dim3A_272 : f32 to vector<16xf32>
      %swap3A_274 = arith.index_cast %scan3A_266 : i32 to index
      %swap3A_275 = arith.constant 16 : index
      %swap3A_276 = tpu.vector_load %arg7[%swap3A_274, %swap3A_275] {strides = array<i32>} : memref<5x128xf32, #tpu.memory_space<vmem>>, vector<1x16xf32>,
      %swap3A_277 = vector.shape_cast %swap3A_276 : vector<1x16xf32> to vector<16xf32>
      %swap3A_278 = vector.shape_cast %broadcast_in_dim3A_273 : vector<16xf32> to vector<1x16xf32>
      tpu.vector_store %arg7[%swap3A_274, %swap3A_275], %swap3A_278 {strides = array<i32>} : memref<5x128xf32, #tpu.memory_space<vmem>>, vector<1x16xf32>,
      %broadcast_in_dim3A_279 = arith.constant 0.000000e+00 : f32
      %broadcast_in_dim3A_280 = vector.broadcast %broadcast_in_dim3A_279 : f32 to vector<16xf32>
      %swap3A_281 = arith.index_cast %scan3A_266 : i32 to index
      %swap3A_282 = arith.constant 32 : index
      %swap3A_283 = tpu.vector_load %arg7[%swap3A_281, %swap3A_282] {strides = array<i32>} : memref<5x128xf32, #tpu.memory_space<vmem>>, vector<1x16xf32>,
      %swap3A_284 = vector.shape_cast %swap3A_283 : vector<1x16xf32> to vector<16xf32>
      %swap3A_285 = vector.shape_cast %broadcast_in_dim3A_280 : vector<16xf32> to vector<1x16xf32>
      tpu.vector_store %arg7[%swap3A_281, %swap3A_282], %swap3A_285 {strides = array<i32>} : memref<5x128xf32, #tpu.memory_space<vmem>>, vector<1x16xf32>,
      %broadcast_in_dim3A_286 = arith.constant 0.000000e+00 : f32
      %broadcast_in_dim3A_287 = vector.broadcast %broadcast_in_dim3A_286 : f32 to vector<16xf32>
      %swap3A_288 = arith.index_cast %scan3A_266 : i32 to index
      %swap3A_289 = arith.constant 48 : index
      %swap3A_290 = tpu.vector_load %arg7[%swap3A_288, %swap3A_289] {strides = array<i32>} : memref<5x128xf32, #tpu.memory_space<vmem>>, vector<1x16xf32>,
      %swap3A_291 = vector.shape_cast %swap3A_290 : vector<1x16xf32> to vector<16xf32>
      %swap3A_292 = vector.shape_cast %broadcast_in_dim3A_287 : vector<16xf32> to vector<1x16xf32>
      tpu.vector_store %arg7[%swap3A_288, %swap3A_289], %swap3A_292 {strides = array<i32>} : memref<5x128xf32, #tpu.memory_space<vmem>>, vector<1x16xf32>,
      %broadcast_in_dim3A_293 = arith.constant 0.000000e+00 : f32
      %broadcast_in_dim3A_294 = vector.broadcast %broadcast_in_dim3A_293 : f32 to vector<16xf32>
      %swap3A_295 = arith.index_cast %scan3A_266 : i32 to index
      %swap3A_296 = arith.constant 64 : index
      %swap3A_297 = tpu.vector_load %arg7[%swap3A_295, %swap3A_296] {strides = array<i32>} : memref<5x128xf32, #tpu.memory_space<vmem>>, vector<1x16xf32>,
      %swap3A_298 = vector.shape_cast %swap3A_297 : vector<1x16xf32> to vector<16xf32>
      %swap3A_299 = vector.shape_cast %broadcast_in_dim3A_294 : vector<16xf32> to vector<1x16xf32>
      tpu.vector_store %arg7[%swap3A_295, %swap3A_296], %swap3A_299 {strides = array<i32>} : memref<5x128xf32, #tpu.memory_space<vmem>>, vector<1x16xf32>,
      %broadcast_in_dim3A_300 = arith.constant 0.000000e+00 : f32
      %broadcast_in_dim3A_301 = vector.broadcast %broadcast_in_dim3A_300 : f32 to vector<16xf32>
      %swap3A_302 = arith.index_cast %scan3A_266 : i32 to index
      %swap3A_303 = arith.constant 80 : index
      %swap3A_304 = tpu.vector_load %arg7[%swap3A_302, %swap3A_303] {strides = array<i32>} : memref<5x128xf32, #tpu.memory_space<vmem>>, vector<1x16xf32>,
      %swap3A_305 = vector.shape_cast %swap3A_304 : vector<1x16xf32> to vector<16xf32>
      %swap3A_306 = vector.shape_cast %broadcast_in_dim3A_301 : vector<16xf32> to vector<1x16xf32>
      tpu.vector_store %arg7[%swap3A_302, %swap3A_303], %swap3A_306 {strides = array<i32>} : memref<5x128xf32, #tpu.memory_space<vmem>>, vector<1x16xf32>,
      %broadcast_in_dim3A_307 = arith.constant 0.000000e+00 : f32
      %broadcast_in_dim3A_308 = vector.broadcast %broadcast_in_dim3A_307 : f32 to vector<16xf32>
      %swap3A_309 = arith.index_cast %scan3A_266 : i32 to index
      %swap3A_310 = arith.constant 96 : index
      %swap3A_311 = tpu.vector_load %arg7[%swap3A_309, %swap3A_310] {strides = array<i32>} : memref<5x128xf32, #tpu.memory_space<vmem>>, vector<1x16xf32>,
      %swap3A_312 = vector.shape_cast %swap3A_311 : vector<1x16xf32> to vector<16xf32>
      %swap3A_313 = vector.shape_cast %broadcast_in_dim3A_308 : vector<16xf32> to vector<1x16xf32>
      tpu.vector_store %arg7[%swap3A_309, %swap3A_310], %swap3A_313 {strides = array<i32>} : memref<5x128xf32, #tpu.memory_space<vmem>>, vector<1x16xf32>,
      %broadcast_in_dim3A_314 = arith.constant 0.000000e+00 : f32
      %broadcast_in_dim3A_315 = vector.broadcast %broadcast_in_dim3A_314 : f32 to vector<16xf32>
      %swap3A_316 = arith.index_cast %scan3A_266 : i32 to index
      %swap3A_317 = arith.constant 112 : index
      %swap3A_318 = tpu.vector_load %arg7[%swap3A_316, %swap3A_317] {strides = array<i32>} : memref<5x128xf32, #tpu.memory_space<vmem>>, vector<1x16xf32>,
      %swap3A_319 = vector.shape_cast %swap3A_318 : vector<1x16xf32> to vector<16xf32>
      %swap3A_320 = vector.shape_cast %broadcast_in_dim3A_315 : vector<16xf32> to vector<1x16xf32>
      tpu.vector_store %arg7[%swap3A_316, %swap3A_317], %swap3A_320 {strides = array<i32>} : memref<5x128xf32, #tpu.memory_space<vmem>>, vector<1x16xf32>,
    }
    %scan3A_99 = arith.constant 5 : i32
    %mul3A_100 = arith.constant 5 : i32
    %mul3A_101 = arith.muli %arg1, %mul3A_100 : i32
    "tpu.region"() ({
      %run_scoped3A = tpu.sem_alloc : memref<!tpu.dma_semaphore, #tpu.memory_space<semaphore_mem>>
      %dma_start3A_266 = arith.constant 0 : i32
      %dma_start3A_267 = tpu.memref_slice %arg8[%mul3A_101, %dma_start3A_266] : memref<80x128xf32, #tpu.memory_space<vmem_shared>> -> memref<5x128xf32, #tpu.memory_space<vmem_shared>>
      %dma_start3A_268 = arith.constant 0 : i32
      %dma_start3A_269 = tpu.memref_slice %arg8[%mul3A_101, %dma_start3A_268] : memref<80x128xf32, #tpu.memory_space<vmem_shared>> -> memref<5x128xf32, #tpu.memory_space<vmem_shared>>
      tpu.enqueue_dma source(%arg7 : memref<5x128xf32, #tpu.memory_space<vmem>>) target(%dma_start3A_269 : memref<5x128xf32, #tpu.memory_space<vmem_shared>>) target_semaphore(%run_scoped3A : memref<!tpu.dma_semaphore, #tpu.memory_space<semaphore_mem>>)
      %dma_wait3A_270 = arith.constant 0 : i32
      %dma_wait3A_271 = tpu.memref_slice %arg8[%mul3A_101, %dma_wait3A_270] : memref<80x128xf32, #tpu.memory_space<vmem_shared>> -> memref<5x128xf32, #tpu.memory_space<vmem_shared>>
      %dma_wait3A_272 = arith.constant 0 : i32
      %dma_wait3A_273 = tpu.memref_slice %arg8[%mul3A_101, %dma_wait3A_272] : memref<80x128xf32, #tpu.memory_space<vmem_shared>> -> memref<5x128xf32, #tpu.memory_space<vmem_shared>>
      tpu.wait_dma2 semaphore(%run_scoped3A : memref<!tpu.dma_semaphore, #tpu.memory_space<semaphore_mem>>) src(%arg7 : memref<5x128xf32, #tpu.memory_space<vmem>>) dst(%dma_wait3A_273 : memref<5x128xf32, #tpu.memory_space<vmem_shared>>)
      tpu.yield
    }) : () -> ()
    %dma_wait3A = arith.constant 0 : i32
    %dma_wait3A_102 = arith.constant 0 : i32
    %dma_wait3A_103 = tpu.memref_slice %arg6[%dma_wait3A, %dma_wait3A_102] : memref<4x80xi32, #tpu.memory_space<vmem>> -> memref<1x80xi32, #tpu.memory_space<vmem>>
    %dma_wait3A_104 = tpu.memref_squeeze %dma_wait3A_103 : memref<1x80xi32, #tpu.memory_space<vmem>> -> memref<80xi32, #tpu.memory_space<vmem>>
    %dma_wait3A_105 = tpu.memref_slice %arg3[%add3A_5] : memref<10000xi32, #tpu.memory_space<hbm>> -> memref<80xi32, #tpu.memory_space<hbm>>
    %dma_wait3A_106 = arith.constant 0 : i32
    %dma_wait3A_107 = tpu.memref_slice %arg6[%dma_wait3A, %dma_wait3A_106] : memref<4x80xi32, #tpu.memory_space<vmem>> -> memref<1x80xi32, #tpu.memory_space<vmem>>
    %dma_wait3A_108 = tpu.memref_squeeze %dma_wait3A_107 : memref<1x80xi32, #tpu.memory_space<vmem>> -> memref<80xi32, #tpu.memory_space<vmem>>
    %dma_wait3A_109 = tpu.memref_slice %arg3[%add3A_5] : memref<10000xi32, #tpu.memory_space<hbm>> -> memref<80xi32, #tpu.memory_space<hbm>>
    tpu.wait_dma2 semaphore(%arg10 : memref<!tpu.dma_semaphore, #tpu.memory_space<semaphore_mem>>) src(%dma_wait3A_109 : memref<80xi32, #tpu.memory_space<hbm>>) dst(%dma_wait3A_108 : memref<80xi32, #tpu.memory_space<vmem>>)
    %dma_wait3A_110 = arith.constant 1 : i32
    %dma_wait3A_111 = arith.constant 0 : i32
    %dma_wait3A_112 = tpu.memref_slice %arg6[%dma_wait3A_110, %dma_wait3A_111] : memref<4x80xi32, #tpu.memory_space<vmem>> -> memref<1x80xi32, #tpu.memory_space<vmem>>
    %dma_wait3A_113 = tpu.memref_squeeze %dma_wait3A_112 : memref<1x80xi32, #tpu.memory_space<vmem>> -> memref<80xi32, #tpu.memory_space<vmem>>
    %dma_wait3A_114 = tpu.memref_slice %arg3[%add3A_15] : memref<10000xi32, #tpu.memory_space<hbm>> -> memref<80xi32, #tpu.memory_space<hbm>>
    %dma_wait3A_115 = arith.constant 0 : i32
    %dma_wait3A_116 = tpu.memref_slice %arg6[%dma_wait3A_110, %dma_wait3A_115] : memref<4x80xi32, #tpu.memory_space<vmem>> -> memref<1x80xi32, #tpu.memory_space<vmem>>
    %dma_wait3A_117 = tpu.memref_squeeze %dma_wait3A_116 : memref<1x80xi32, #tpu.memory_space<vmem>> -> memref<80xi32, #tpu.memory_space<vmem>>
    %dma_wait3A_118 = tpu.memref_slice %arg3[%add3A_15] : memref<10000xi32, #tpu.memory_space<hbm>> -> memref<80xi32, #tpu.memory_space<hbm>>
    tpu.wait_dma2 semaphore(%arg10 : memref<!tpu.dma_semaphore, #tpu.memory_space<semaphore_mem>>) src(%dma_wait3A_118 : memref<80xi32, #tpu.memory_space<hbm>>) dst(%dma_wait3A_117 : memref<80xi32, #tpu.memory_space<vmem>>)
    %dma_wait3A_119 = arith.constant 2 : i32
    %dma_wait3A_120 = arith.constant 0 : i32
    %dma_wait3A_121 = tpu.memref_slice %arg6[%dma_wait3A_119, %dma_wait3A_120] : memref<4x80xi32, #tpu.memory_space<vmem>> -> memref<1x80xi32, #tpu.memory_space<vmem>>
    %dma_wait3A_122 = tpu.memref_squeeze %dma_wait3A_121 : memref<1x80xi32, #tpu.memory_space<vmem>> -> memref<80xi32, #tpu.memory_space<vmem>>
    %dma_wait3A_123 = tpu.memref_slice %arg3[%add3A_26] : memref<10000xi32, #tpu.memory_space<hbm>> -> memref<80xi32, #tpu.memory_space<hbm>>
    %dma_wait3A_124 = arith.constant 0 : i32
    %dma_wait3A_125 = tpu.memref_slice %arg6[%dma_wait3A_119, %dma_wait3A_124] : memref<4x80xi32, #tpu.memory_space<vmem>> -> memref<1x80xi32, #tpu.memory_space<vmem>>
    %dma_wait3A_126 = tpu.memref_squeeze %dma_wait3A_125 : memref<1x80xi32, #tpu.memory_space<vmem>> -> memref<80xi32, #tpu.memory_space<vmem>>
    %dma_wait3A_127 = tpu.memref_slice %arg3[%add3A_26] : memref<10000xi32, #tpu.memory_space<hbm>> -> memref<80xi32, #tpu.memory_space<hbm>>
    tpu.wait_dma2 semaphore(%arg10 : memref<!tpu.dma_semaphore, #tpu.memory_space<semaphore_mem>>) src(%dma_wait3A_127 : memref<80xi32, #tpu.memory_space<hbm>>) dst(%dma_wait3A_126 : memref<80xi32, #tpu.memory_space<vmem>>)
    %dma_wait3A_128 = arith.constant 3 : i32
    %dma_wait3A_129 = arith.constant 0 : i32
    %dma_wait3A_130 = tpu.memref_slice %arg6[%dma_wait3A_128, %dma_wait3A_129] : memref<4x80xi32, #tpu.memory_space<vmem>> -> memref<1x80xi32, #tpu.memory_space<vmem>>
    %dma_wait3A_131 = tpu.memref_squeeze %dma_wait3A_130 : memref<1x80xi32, #tpu.memory_space<vmem>> -> memref<80xi32, #tpu.memory_space<vmem>>
    %dma_wait3A_132 = tpu.memref_slice %arg3[%add3A_37] : memref<10000xi32, #tpu.memory_space<hbm>> -> memref<80xi32, #tpu.memory_space<hbm>>
    %dma_wait3A_133 = arith.constant 0 : i32
    %dma_wait3A_134 = tpu.memref_slice %arg6[%dma_wait3A_128, %dma_wait3A_133] : memref<4x80xi32, #tpu.memory_space<vmem>> -> memref<1x80xi32, #tpu.memory_space<vmem>>
    %dma_wait3A_135 = tpu.memref_squeeze %dma_wait3A_134 : memref<1x80xi32, #tpu.memory_space<vmem>> -> memref<80xi32, #tpu.memory_space<vmem>>
    %dma_wait3A_136 = tpu.memref_slice %arg3[%add3A_37] : memref<10000xi32, #tpu.memory_space<hbm>> -> memref<80xi32, #tpu.memory_space<hbm>>
    tpu.wait_dma2 semaphore(%arg10 : memref<!tpu.dma_semaphore, #tpu.memory_space<semaphore_mem>>) src(%dma_wait3A_136 : memref<80xi32, #tpu.memory_space<hbm>>) dst(%dma_wait3A_135 : memref<80xi32, #tpu.memory_space<vmem>>)
    %scan3A_137 = arith.constant 0 : i32
    %scan3A_138 = arith.constant 0 : i32
    %scan3A_139 = arith.constant 20 : i32
    %scan3A_140 = arith.addi %scan3A_138, %scan3A_139 : i32
    %scan3A_141 = arith.constant 1 : i32
    scf.for %scan3A_266 = %scan3A_138 to %scan3A_140 step %scan3A_141  : i32 {
      %jit3A = arith.constant 5 : i32
      %div3A = arith.divsi %scan3A_266, %jit3A : i32
      %sign3A = arith.constant 0 : i32
      %sign3A_267 = arith.cmpi sgt, %scan3A_266, %sign3A : i32
      %sign3A_268 = arith.extui %sign3A_267 : i1 to i32
      %sign3A_269 = arith.constant 0 : i32
      %sign3A_270 = arith.cmpi slt, %scan3A_266, %sign3A_269 : i32
      %sign3A_271 = arith.extui %sign3A_270 : i1 to i32
      %sign3A_272 = arith.subi %sign3A_268, %sign3A_271 : i32
      %sign3A_273 = arith.constant 0 : i32
      %sign3A_274 = arith.cmpi sgt, %jit3A, %sign3A_273 : i32
      %sign3A_275 = arith.extui %sign3A_274 : i1 to i32
      %sign3A_276 = arith.constant 0 : i32
      %sign3A_277 = arith.cmpi slt, %jit3A, %sign3A_276 : i32
      %sign3A_278 = arith.extui %sign3A_277 : i1 to i32
      %sign3A_279 = arith.subi %sign3A_275, %sign3A_278 : i32
      %ne3A = arith.cmpi ne, %sign3A_272, %sign3A_279 : i32
      %rem3A = arith.remsi %scan3A_266, %jit3A : i32
      %ne3A_280 = arith.constant 0 : i32
      %ne3A_281 = arith.cmpi ne, %rem3A, %ne3A_280 : i32
      %and3A = arith.andi %ne3A, %ne3A_281 : i1
      %sub3A = arith.constant 1 : i32
      %sub3A_282 = arith.subi %div3A, %sub3A : i32
      %select_n3A = arith.select %and3A, %sub3A_282, %div3A : i32
      %jit3A_283 = arith.constant 5 : i32
      %eq3A_284 = arith.constant 0 : i32
      %eq3A_285 = arith.cmpi eq, %jit3A_283, %eq3A_284 : i32
      %jit3A_286 = arith.constant 1 : i32
      %select_n3A_287 = arith.select %eq3A_285, %jit3A_286, %jit3A_283 : i32
      %rem3A_288 = arith.remsi %scan3A_266, %select_n3A_287 : i32
      %ne3A_289 = arith.constant 0 : i32
      %ne3A_290 = arith.cmpi ne, %rem3A_288, %ne3A_289 : i32
      %lt3A = arith.constant 0 : i32
      %lt3A_291 = arith.cmpi slt, %rem3A_288, %lt3A : i32
      %lt3A_292 = arith.constant 0 : i32
      %lt3A_293 = arith.cmpi slt, %select_n3A_287, %lt3A_292 : i32
      %ne3A_294 = arith.xori %lt3A_291, %lt3A_293 : i1
      %and3A_295 = arith.andi %ne3A_294, %ne3A_290 : i1
      %add3A_296 = arith.addi %rem3A_288, %select_n3A_287 : i32
      %select_n3A_297 = arith.select %and3A_295, %add3A_296, %rem3A_288 : i32
      %mul3A_298 = arith.constant 16 : i32
      %mul3A_299 = arith.muli %select_n3A_297, %mul3A_298 : i32
      %get3A = arith.index_cast %select_n3A : i32 to index
      %get3A_300 = arith.index_cast %mul3A_299 : i32 to index
      %get3A_301 = tpu.vector_load %arg6[%get3A, %get3A_300] {strides = array<i32>} : memref<4x80xi32, #tpu.memory_space<vmem>>, vector<1x16xi32>,
      %get3A_302 = vector.shape_cast %get3A_301 : vector<1x16xi32> to vector<16xi32>
      %iota3A = tpu.iota {dimensions = array<i32: 0>} : vector<16xi32>
      %mul3A_303 = arith.constant 80 : i32
      %mul3A_304 = arith.muli %select_n3A, %mul3A_303 : i32
      %add3A_305 = arith.addi %min3A_3, %mul3A_304 : i32
      %mul3A_306 = arith.constant 16 : i32
      %mul3A_307 = arith.muli %select_n3A_297, %mul3A_306 : i32
      %add3A_308 = arith.addi %add3A_305, %mul3A_307 : i32
      %add3A_309 = vector.broadcast %add3A_308 : i32 to vector<16xi32>
      %add3A_310 = arith.addi %add3A_309, %iota3A : vector<16xi32>
      %ge3A = vector.broadcast %mul3A_2 : i32 to vector<16xi32>
      %ge3A_311 = arith.cmpi sge, %add3A_310, %ge3A : vector<16xi32>
      %add3A_312 = arith.constant 64 : i32
      %add3A_313 = vector.broadcast %add3A_312 : i32 to vector<16xi32>
      %add3A_314 = arith.addi %add3A_313, %iota3A : vector<16xi32>
      %select_n3A_315 = arith.select %ge3A_311, %get3A_302, %add3A_314 : vector<16xi1>, vector<16xi32>
      %add3A_316 = arith.constant 0 : i32
      %add3A_317 = vector.broadcast %add3A_316 : i32 to vector<16xi32>
      %add3A_318 = arith.addi %add3A_317, %select_n3A_315 : vector<16xi32>
      %mul3A_319 = arith.constant 16 : i32
      %mul3A_320 = arith.muli %select_n3A_297, %mul3A_319 : i32
      %swap3A = arith.index_cast %select_n3A : i32 to index
      %swap3A_321 = arith.index_cast %mul3A_320 : i32 to index
      %swap3A_322 = tpu.vector_load %arg6[%swap3A, %swap3A_321] {strides = array<i32>} : memref<4x80xi32, #tpu.memory_space<vmem>>, vector<1x16xi32>,
      %swap3A_323 = vector.shape_cast %swap3A_322 : vector<1x16xi32> to vector<16xi32>
      %swap3A_324 = vector.shape_cast %add3A_318 : vector<16xi32> to vector<1x16xi32>
      tpu.vector_store %arg6[%swap3A, %swap3A_321], %swap3A_324 {strides = array<i32>} : memref<4x80xi32, #tpu.memory_space<vmem>>, vector<1x16xi32>,
    }
    %scan3A_142 = arith.constant 20 : i32
    %barrier3A = arith.constant 0 : index
    tpu.barrier barrier_id(%barrier3A)
    %dma_wait3A_143 = arith.constant 0 : i32
    %dma_wait3A_144 = arith.constant 0 : i32
    %dma_wait3A_145 = tpu.memref_slice %arg5[%dma_wait3A_143, %dma_wait3A_144] : memref<320x128xf32, #tpu.memory_space<vmem>> -> memref<80x128xf32, #tpu.memory_space<vmem>>
    %dma_wait3A_146 = arith.constant 0 : i32
    %dma_wait3A_147 = tpu.memref_slice %arg2[%add3A_48, %dma_wait3A_146] : memref<10000x128xf32, #tpu.memory_space<hbm>> -> memref<80x128xf32, #tpu.memory_space<hbm>>
    %dma_wait3A_148 = arith.constant 0 : i32
    %dma_wait3A_149 = arith.constant 0 : i32
    %dma_wait3A_150 = tpu.memref_slice %arg5[%dma_wait3A_148, %dma_wait3A_149] : memref<320x128xf32, #tpu.memory_space<vmem>> -> memref<80x128xf32, #tpu.memory_space<vmem>>
    %dma_wait3A_151 = arith.constant 0 : i32
    %dma_wait3A_152 = tpu.memref_slice %arg2[%add3A_48, %dma_wait3A_151] : memref<10000x128xf32, #tpu.memory_space<hbm>> -> memref<80x128xf32, #tpu.memory_space<hbm>>
    tpu.wait_dma2 semaphore(%arg9 : memref<!tpu.dma_semaphore, #tpu.memory_space<semaphore_mem>>) src(%dma_wait3A_152 : memref<80x128xf32, #tpu.memory_space<hbm>>) dst(%dma_wait3A_150 : memref<80x128xf32, #tpu.memory_space<vmem>>)
    %dma_start3A_153 = arith.constant 0 : i32
    %dma_start3A_154 = arith.constant 0 : i32
    %dma_start3A_155 = arith.constant 0 : i32
    %dma_start3A_156 = tpu.memref_slice %arg5[%dma_start3A_154, %dma_start3A_155] : memref<320x128xf32, #tpu.memory_space<vmem>> -> memref<80x128xf32, #tpu.memory_space<vmem>>
    %dma_start3A_157 = arith.constant 0 : i32
    %dma_start3A_158 = tpu.memref_slice %arg6[%dma_start3A_153, %dma_start3A_157] : memref<4x80xi32, #tpu.memory_space<vmem>> -> memref<1x80xi32, #tpu.memory_space<vmem>>
    %dma_start3A_159 = tpu.memref_squeeze %dma_start3A_158 : memref<1x80xi32, #tpu.memory_space<vmem>> -> memref<80xi32, #tpu.memory_space<vmem>>
    %dma_start3A_160 = arith.constant 0 : i32
    %dma_start3A_161 = arith.constant 0 : i32
    %dma_start3A_162 = tpu.memref_slice %arg8[%dma_start3A_160, %dma_start3A_161] : memref<80x128xf32, #tpu.memory_space<vmem_shared>> -> memref<80x128xf32, #tpu.memory_space<vmem_shared>>
    tpu.enqueue_indirect_dma source(%dma_start3A_156 : memref<80x128xf32, #tpu.memory_space<vmem>>) target(%dma_start3A_162 : memref<80x128xf32, #tpu.memory_space<vmem_shared>>) offsets(%dma_start3A_159 : memref<80xi32, #tpu.memory_space<vmem>>) semaphore(%arg11 : memref<!tpu.dma_semaphore, #tpu.memory_space<semaphore_mem>>) {add = true}
    %dma_wait3A_163 = arith.constant 80 : i32
    %dma_wait3A_164 = arith.constant 0 : i32
    %dma_wait3A_165 = tpu.memref_slice %arg5[%dma_wait3A_163, %dma_wait3A_164] : memref<320x128xf32, #tpu.memory_space<vmem>> -> memref<80x128xf32, #tpu.memory_space<vmem>>
    %dma_wait3A_166 = arith.constant 0 : i32
    %dma_wait3A_167 = tpu.memref_slice %arg2[%add3A_60, %dma_wait3A_166] : memref<10000x128xf32, #tpu.memory_space<hbm>> -> memref<80x128xf32, #tpu.memory_space<hbm>>
    %dma_wait3A_168 = arith.constant 80 : i32
    %dma_wait3A_169 = arith.constant 0 : i32
    %dma_wait3A_170 = tpu.memref_slice %arg5[%dma_wait3A_168, %dma_wait3A_169] : memref<320x128xf32, #tpu.memory_space<vmem>> -> memref<80x128xf32, #tpu.memory_space<vmem>>
    %dma_wait3A_171 = arith.constant 0 : i32
    %dma_wait3A_172 = tpu.memref_slice %arg2[%add3A_60, %dma_wait3A_171] : memref<10000x128xf32, #tpu.memory_space<hbm>> -> memref<80x128xf32, #tpu.memory_space<hbm>>
    tpu.wait_dma2 semaphore(%arg9 : memref<!tpu.dma_semaphore, #tpu.memory_space<semaphore_mem>>) src(%dma_wait3A_172 : memref<80x128xf32, #tpu.memory_space<hbm>>) dst(%dma_wait3A_170 : memref<80x128xf32, #tpu.memory_space<vmem>>)
    %dma_start3A_173 = arith.constant 1 : i32
    %dma_start3A_174 = arith.constant 80 : i32
    %dma_start3A_175 = arith.constant 0 : i32
    %dma_start3A_176 = tpu.memref_slice %arg5[%dma_start3A_174, %dma_start3A_175] : memref<320x128xf32, #tpu.memory_space<vmem>> -> memref<80x128xf32, #tpu.memory_space<vmem>>
    %dma_start3A_177 = arith.constant 0 : i32
    %dma_start3A_178 = tpu.memref_slice %arg6[%dma_start3A_173, %dma_start3A_177] : memref<4x80xi32, #tpu.memory_space<vmem>> -> memref<1x80xi32, #tpu.memory_space<vmem>>
    %dma_start3A_179 = tpu.memref_squeeze %dma_start3A_178 : memref<1x80xi32, #tpu.memory_space<vmem>> -> memref<80xi32, #tpu.memory_space<vmem>>
    %dma_start3A_180 = arith.constant 0 : i32
    %dma_start3A_181 = arith.constant 0 : i32
    %dma_start3A_182 = tpu.memref_slice %arg8[%dma_start3A_180, %dma_start3A_181] : memref<80x128xf32, #tpu.memory_space<vmem_shared>> -> memref<80x128xf32, #tpu.memory_space<vmem_shared>>
    tpu.enqueue_indirect_dma source(%dma_start3A_176 : memref<80x128xf32, #tpu.memory_space<vmem>>) target(%dma_start3A_182 : memref<80x128xf32, #tpu.memory_space<vmem_shared>>) offsets(%dma_start3A_179 : memref<80xi32, #tpu.memory_space<vmem>>) semaphore(%arg11 : memref<!tpu.dma_semaphore, #tpu.memory_space<semaphore_mem>>) {add = true}
    %dma_wait3A_183 = arith.constant 160 : i32
    %dma_wait3A_184 = arith.constant 0 : i32
    %dma_wait3A_185 = tpu.memref_slice %arg5[%dma_wait3A_183, %dma_wait3A_184] : memref<320x128xf32, #tpu.memory_space<vmem>> -> memref<80x128xf32, #tpu.memory_space<vmem>>
    %dma_wait3A_186 = arith.constant 0 : i32
    %dma_wait3A_187 = tpu.memref_slice %arg2[%add3A_72, %dma_wait3A_186] : memref<10000x128xf32, #tpu.memory_space<hbm>> -> memref<80x128xf32, #tpu.memory_space<hbm>>
    %dma_wait3A_188 = arith.constant 160 : i32
    %dma_wait3A_189 = arith.constant 0 : i32
    %dma_wait3A_190 = tpu.memref_slice %arg5[%dma_wait3A_188, %dma_wait3A_189] : memref<320x128xf32, #tpu.memory_space<vmem>> -> memref<80x128xf32, #tpu.memory_space<vmem>>
    %dma_wait3A_191 = arith.constant 0 : i32
    %dma_wait3A_192 = tpu.memref_slice %arg2[%add3A_72, %dma_wait3A_191] : memref<10000x128xf32, #tpu.memory_space<hbm>> -> memref<80x128xf32, #tpu.memory_space<hbm>>
    tpu.wait_dma2 semaphore(%arg9 : memref<!tpu.dma_semaphore, #tpu.memory_space<semaphore_mem>>) src(%dma_wait3A_192 : memref<80x128xf32, #tpu.memory_space<hbm>>) dst(%dma_wait3A_190 : memref<80x128xf32, #tpu.memory_space<vmem>>)
    %dma_start3A_193 = arith.constant 2 : i32
    %dma_start3A_194 = arith.constant 160 : i32
    %dma_start3A_195 = arith.constant 0 : i32
    %dma_start3A_196 = tpu.memref_slice %arg5[%dma_start3A_194, %dma_start3A_195] : memref<320x128xf32, #tpu.memory_space<vmem>> -> memref<80x128xf32, #tpu.memory_space<vmem>>
    %dma_start3A_197 = arith.constant 0 : i32
    %dma_start3A_198 = tpu.memref_slice %arg6[%dma_start3A_193, %dma_start3A_197] : memref<4x80xi32, #tpu.memory_space<vmem>> -> memref<1x80xi32, #tpu.memory_space<vmem>>
    %dma_start3A_199 = tpu.memref_squeeze %dma_start3A_198 : memref<1x80xi32, #tpu.memory_space<vmem>> -> memref<80xi32, #tpu.memory_space<vmem>>
    %dma_start3A_200 = arith.constant 0 : i32
    %dma_start3A_201 = arith.constant 0 : i32
    %dma_start3A_202 = tpu.memref_slice %arg8[%dma_start3A_200, %dma_start3A_201] : memref<80x128xf32, #tpu.memory_space<vmem_shared>> -> memref<80x128xf32, #tpu.memory_space<vmem_shared>>
    tpu.enqueue_indirect_dma source(%dma_start3A_196 : memref<80x128xf32, #tpu.memory_space<vmem>>) target(%dma_start3A_202 : memref<80x128xf32, #tpu.memory_space<vmem_shared>>) offsets(%dma_start3A_199 : memref<80xi32, #tpu.memory_space<vmem>>) semaphore(%arg11 : memref<!tpu.dma_semaphore, #tpu.memory_space<semaphore_mem>>) {add = true}
    %dma_wait3A_203 = arith.constant 240 : i32
    %dma_wait3A_204 = arith.constant 0 : i32
    %dma_wait3A_205 = tpu.memref_slice %arg5[%dma_wait3A_203, %dma_wait3A_204] : memref<320x128xf32, #tpu.memory_space<vmem>> -> memref<80x128xf32, #tpu.memory_space<vmem>>
    %dma_wait3A_206 = arith.constant 0 : i32
    %dma_wait3A_207 = tpu.memref_slice %arg2[%add3A_84, %dma_wait3A_206] : memref<10000x128xf32, #tpu.memory_space<hbm>> -> memref<80x128xf32, #tpu.memory_space<hbm>>
    %dma_wait3A_208 = arith.constant 240 : i32
    %dma_wait3A_209 = arith.constant 0 : i32
    %dma_wait3A_210 = tpu.memref_slice %arg5[%dma_wait3A_208, %dma_wait3A_209] : memref<320x128xf32, #tpu.memory_space<vmem>> -> memref<80x128xf32, #tpu.memory_space<vmem>>
    %dma_wait3A_211 = arith.constant 0 : i32
    %dma_wait3A_212 = tpu.memref_slice %arg2[%add3A_84, %dma_wait3A_211] : memref<10000x128xf32, #tpu.memory_space<hbm>> -> memref<80x128xf32, #tpu.memory_space<hbm>>
    tpu.wait_dma2 semaphore(%arg9 : memref<!tpu.dma_semaphore, #tpu.memory_space<semaphore_mem>>) src(%dma_wait3A_212 : memref<80x128xf32, #tpu.memory_space<hbm>>) dst(%dma_wait3A_210 : memref<80x128xf32, #tpu.memory_space<vmem>>)
    %dma_start3A_213 = arith.constant 3 : i32
    %dma_start3A_214 = arith.constant 240 : i32
    %dma_start3A_215 = arith.constant 0 : i32
    %dma_start3A_216 = tpu.memref_slice %arg5[%dma_start3A_214, %dma_start3A_215] : memref<320x128xf32, #tpu.memory_space<vmem>> -> memref<80x128xf32, #tpu.memory_space<vmem>>
    %dma_start3A_217 = arith.constant 0 : i32
    %dma_start3A_218 = tpu.memref_slice %arg6[%dma_start3A_213, %dma_start3A_217] : memref<4x80xi32, #tpu.memory_space<vmem>> -> memref<1x80xi32, #tpu.memory_space<vmem>>
    %dma_start3A_219 = tpu.memref_squeeze %dma_start3A_218 : memref<1x80xi32, #tpu.memory_space<vmem>> -> memref<80xi32, #tpu.memory_space<vmem>>
    %dma_start3A_220 = arith.constant 0 : i32
    %dma_start3A_221 = arith.constant 0 : i32
    %dma_start3A_222 = tpu.memref_slice %arg8[%dma_start3A_220, %dma_start3A_221] : memref<80x128xf32, #tpu.memory_space<vmem_shared>> -> memref<80x128xf32, #tpu.memory_space<vmem_shared>>
    tpu.enqueue_indirect_dma source(%dma_start3A_216 : memref<80x128xf32, #tpu.memory_space<vmem>>) target(%dma_start3A_222 : memref<80x128xf32, #tpu.memory_space<vmem_shared>>) offsets(%dma_start3A_219 : memref<80xi32, #tpu.memory_space<vmem>>) semaphore(%arg11 : memref<!tpu.dma_semaphore, #tpu.memory_space<semaphore_mem>>) {add = true}
    %dma_wait3A_223 = arith.constant 0 : i32
    %dma_wait3A_224 = arith.constant 0 : i32
    %dma_wait3A_225 = arith.constant 0 : i32
    %dma_wait3A_226 = tpu.memref_slice %arg5[%dma_wait3A_224, %dma_wait3A_225] : memref<320x128xf32, #tpu.memory_space<vmem>> -> memref<80x128xf32, #tpu.memory_space<vmem>>
    %dma_wait3A_227 = arith.constant 0 : i32
    %dma_wait3A_228 = tpu.memref_slice %arg6[%dma_wait3A_223, %dma_wait3A_227] : memref<4x80xi32, #tpu.memory_space<vmem>> -> memref<1x80xi32, #tpu.memory_space<vmem>>
    %dma_wait3A_229 = tpu.memref_squeeze %dma_wait3A_228 : memref<1x80xi32, #tpu.memory_space<vmem>> -> memref<80xi32, #tpu.memory_space<vmem>>
    %dma_wait3A_230 = arith.constant 0 : i32
    %dma_wait3A_231 = arith.constant 0 : i32
    %dma_wait3A_232 = tpu.memref_slice %arg8[%dma_wait3A_230, %dma_wait3A_231] : memref<80x128xf32, #tpu.memory_space<vmem_shared>> -> memref<80x128xf32, #tpu.memory_space<vmem_shared>>
    tpu.wait_indirect_dma semaphore(%arg11 : memref<!tpu.dma_semaphore, #tpu.memory_space<semaphore_mem>>) src(%dma_wait3A_226 : memref<80x128xf32, #tpu.memory_space<vmem>>) dst(%dma_wait3A_232 : memref<80x128xf32, #tpu.memory_space<vmem_shared>>)
    %dma_wait3A_233 = arith.constant 1 : i32
    %dma_wait3A_234 = arith.constant 80 : i32
    %dma_wait3A_235 = arith.constant 0 : i32
    %dma_wait3A_236 = tpu.memref_slice %arg5[%dma_wait3A_234, %dma_wait3A_235] : memref<320x128xf32, #tpu.memory_space<vmem>> -> memref<80x128xf32, #tpu.memory_space<vmem>>
    %dma_wait3A_237 = arith.constant 0 : i32
    %dma_wait3A_238 = tpu.memref_slice %arg6[%dma_wait3A_233, %dma_wait3A_237] : memref<4x80xi32, #tpu.memory_space<vmem>> -> memref<1x80xi32, #tpu.memory_space<vmem>>
    %dma_wait3A_239 = tpu.memref_squeeze %dma_wait3A_238 : memref<1x80xi32, #tpu.memory_space<vmem>> -> memref<80xi32, #tpu.memory_space<vmem>>
    %dma_wait3A_240 = arith.constant 0 : i32
    %dma_wait3A_241 = arith.constant 0 : i32
    %dma_wait3A_242 = tpu.memref_slice %arg8[%dma_wait3A_240, %dma_wait3A_241] : memref<80x128xf32, #tpu.memory_space<vmem_shared>> -> memref<80x128xf32, #tpu.memory_space<vmem_shared>>
    tpu.wait_indirect_dma semaphore(%arg11 : memref<!tpu.dma_semaphore, #tpu.memory_space<semaphore_mem>>) src(%dma_wait3A_236 : memref<80x128xf32, #tpu.memory_space<vmem>>) dst(%dma_wait3A_242 : memref<80x128xf32, #tpu.memory_space<vmem_shared>>)
    %dma_wait3A_243 = arith.constant 2 : i32
    %dma_wait3A_244 = arith.constant 160 : i32
    %dma_wait3A_245 = arith.constant 0 : i32
    %dma_wait3A_246 = tpu.memref_slice %arg5[%dma_wait3A_244, %dma_wait3A_245] : memref<320x128xf32, #tpu.memory_space<vmem>> -> memref<80x128xf32, #tpu.memory_space<vmem>>
    %dma_wait3A_247 = arith.constant 0 : i32
    %dma_wait3A_248 = tpu.memref_slice %arg6[%dma_wait3A_243, %dma_wait3A_247] : memref<4x80xi32, #tpu.memory_space<vmem>> -> memref<1x80xi32, #tpu.memory_space<vmem>>
    %dma_wait3A_249 = tpu.memref_squeeze %dma_wait3A_248 : memref<1x80xi32, #tpu.memory_space<vmem>> -> memref<80xi32, #tpu.memory_space<vmem>>
    %dma_wait3A_250 = arith.constant 0 : i32
    %dma_wait3A_251 = arith.constant 0 : i32
    %dma_wait3A_252 = tpu.memref_slice %arg8[%dma_wait3A_250, %dma_wait3A_251] : memref<80x128xf32, #tpu.memory_space<vmem_shared>> -> memref<80x128xf32, #tpu.memory_space<vmem_shared>>
    tpu.wait_indirect_dma semaphore(%arg11 : memref<!tpu.dma_semaphore, #tpu.memory_space<semaphore_mem>>) src(%dma_wait3A_246 : memref<80x128xf32, #tpu.memory_space<vmem>>) dst(%dma_wait3A_252 : memref<80x128xf32, #tpu.memory_space<vmem_shared>>)
    %dma_wait3A_253 = arith.constant 3 : i32
    %dma_wait3A_254 = arith.constant 240 : i32
    %dma_wait3A_255 = arith.constant 0 : i32
    %dma_wait3A_256 = tpu.memref_slice %arg5[%dma_wait3A_254, %dma_wait3A_255] : memref<320x128xf32, #tpu.memory_space<vmem>> -> memref<80x128xf32, #tpu.memory_space<vmem>>
    %dma_wait3A_257 = arith.constant 0 : i32
    %dma_wait3A_258 = tpu.memref_slice %arg6[%dma_wait3A_253, %dma_wait3A_257] : memref<4x80xi32, #tpu.memory_space<vmem>> -> memref<1x80xi32, #tpu.memory_space<vmem>>
    %dma_wait3A_259 = tpu.memref_squeeze %dma_wait3A_258 : memref<1x80xi32, #tpu.memory_space<vmem>> -> memref<80xi32, #tpu.memory_space<vmem>>
    %dma_wait3A_260 = arith.constant 0 : i32
    %dma_wait3A_261 = arith.constant 0 : i32
    %dma_wait3A_262 = tpu.memref_slice %arg8[%dma_wait3A_260, %dma_wait3A_261] : memref<80x128xf32, #tpu.memory_space<vmem_shared>> -> memref<80x128xf32, #tpu.memory_space<vmem_shared>>
    tpu.wait_indirect_dma semaphore(%arg11 : memref<!tpu.dma_semaphore, #tpu.memory_space<semaphore_mem>>) src(%dma_wait3A_256 : memref<80x128xf32, #tpu.memory_space<vmem>>) dst(%dma_wait3A_262 : memref<80x128xf32, #tpu.memory_space<vmem_shared>>)
    %barrier3A_263 = arith.constant 0 : index
    tpu.barrier barrier_id(%barrier3A_263)
    %eq3A = arith.constant 0 : i32
    %eq3A_264 = arith.cmpi eq, %arg1, %eq3A : i32
    %convert_element_type3A = arith.extui %eq3A_264 : i1 to i32
    %cond3A = arith.constant 0 : i32
    %cond3A_265 = arith.cmpi ne, %convert_element_type3A, %cond3A : i32
    scf.if %cond3A_265 {
      "tpu.region"() ({
        %run_scoped3A = tpu.sem_alloc : memref<!tpu.dma_semaphore, #tpu.memory_space<semaphore_mem>>
        %dma_start3A_266 = arith.constant 0 : i32
        %dma_start3A_267 = arith.constant 0 : i32
        %dma_start3A_268 = tpu.memref_slice %arg4[%arg0, %dma_start3A_266, %dma_start3A_267] : memref<2x80x128xf32, #tpu.memory_space<hbm>> -> memref<1x80x128xf32, #tpu.memory_space<hbm>>
        %dma_start3A_269 = tpu.memref_squeeze %dma_start3A_268 : memref<1x80x128xf32, #tpu.memory_space<hbm>> -> memref<80x128xf32, #tpu.memory_space<hbm>>
        tpu.enqueue_dma source(%arg8 : memref<80x128xf32, #tpu.memory_space<vmem_shared>>) target(%dma_start3A_269 : memref<80x128xf32, #tpu.memory_space<hbm>>) target_semaphore(%run_scoped3A : memref<!tpu.dma_semaphore, #tpu.memory_space<semaphore_mem>>)
        %dma_wait3A_270 = arith.constant 0 : i32
        %dma_wait3A_271 = arith.constant 0 : i32
        %dma_wait3A_272 = tpu.memref_slice %arg4[%arg0, %dma_wait3A_270, %dma_wait3A_271] : memref<2x80x128xf32, #tpu.memory_space<hbm>> -> memref<1x80x128xf32, #tpu.memory_space<hbm>>
        %dma_wait3A_273 = tpu.memref_squeeze %dma_wait3A_272 : memref<1x80x128xf32, #tpu.memory_space<hbm>> -> memref<80x128xf32, #tpu.memory_space<hbm>>
        tpu.wait_dma2 semaphore(%run_scoped3A : memref<!tpu.dma_semaphore, #tpu.memory_space<semaphore_mem>>) src(%arg8 : memref<80x128xf32, #tpu.memory_space<vmem_shared>>) dst(%dma_wait3A_273 : memref<80x128xf32, #tpu.memory_space<hbm>>)
        tpu.yield
      }) : () -> ()
    } else {
    }
    return
  }
}

module attributes {stable_mosaic.version = 14 : i64} {
  func.func @_cnt_body(%arg0: memref<80x128xi32, #tpu.memory_space<vmem>>, %arg1: memref<64x1xf32, #tpu.memory_space<vmem>>) attributes {dimension_semantics = [], scalar_prefetch = 0 : i64, scratch_operands = 0 : i64, tpu.core_type = #tpu.core_type<tc>} {
    %iota3A = tpu.iota {dimensions = array<i32: 0>} : vector<64x128xi32>
    %broadcast_in_dim3A = arith.constant 0.000000e+00 : f32
    %broadcast_in_dim3A_0 = vector.broadcast %broadcast_in_dim3A : f32 to vector<64x128xf32>
    %get3A = arith.constant 0 : index
    %get3A_1 = arith.constant 0 : index
    %get3A_2 = vector.load %arg0[%get3A, %get3A_1] : memref<80x128xi32, #tpu.memory_space<vmem>>, vector<1x128xi32>
    %eq3A = vector.broadcast %get3A_2 : vector<1x128xi32> to vector<64x128xi32>
    %eq3A_3 = arith.cmpi eq, %iota3A, %eq3A : vector<64x128xi32>
    %jit3A = arith.constant 1.000000e+00 : f32
    %jit3A_4 = arith.constant 0.000000e+00 : f32
    %broadcast_in_dim3A_5 = vector.broadcast %jit3A : f32 to vector<64x128xf32>
    %broadcast_in_dim3A_6 = vector.broadcast %jit3A_4 : f32 to vector<64x128xf32>
    %select_n3A = arith.select %eq3A_3, %broadcast_in_dim3A_5, %broadcast_in_dim3A_6 : vector<64x128xi1>, vector<64x128xf32>
    %add3A = arith.addf %broadcast_in_dim3A_0, %select_n3A : vector<64x128xf32>
    %get3A_7 = arith.constant 1 : index
    %get3A_8 = arith.constant 0 : index
    %get3A_9 = vector.load %arg0[%get3A_7, %get3A_8] : memref<80x128xi32, #tpu.memory_space<vmem>>, vector<1x128xi32>
    %eq3A_10 = vector.broadcast %get3A_9 : vector<1x128xi32> to vector<64x128xi32>
    %eq3A_11 = arith.cmpi eq, %iota3A, %eq3A_10 : vector<64x128xi32>
    %jit3A_12 = arith.constant 1.000000e+00 : f32
    %jit3A_13 = arith.constant 0.000000e+00 : f32
    %broadcast_in_dim3A_14 = vector.broadcast %jit3A_12 : f32 to vector<64x128xf32>
    %broadcast_in_dim3A_15 = vector.broadcast %jit3A_13 : f32 to vector<64x128xf32>
    %select_n3A_16 = arith.select %eq3A_11, %broadcast_in_dim3A_14, %broadcast_in_dim3A_15 : vector<64x128xi1>, vector<64x128xf32>
    %add3A_17 = arith.addf %add3A, %select_n3A_16 : vector<64x128xf32>
    %get3A_18 = arith.constant 2 : index
    %get3A_19 = arith.constant 0 : index
    %get3A_20 = vector.load %arg0[%get3A_18, %get3A_19] : memref<80x128xi32, #tpu.memory_space<vmem>>, vector<1x128xi32>
    %eq3A_21 = vector.broadcast %get3A_20 : vector<1x128xi32> to vector<64x128xi32>
    %eq3A_22 = arith.cmpi eq, %iota3A, %eq3A_21 : vector<64x128xi32>
    %jit3A_23 = arith.constant 1.000000e+00 : f32
    %jit3A_24 = arith.constant 0.000000e+00 : f32
    %broadcast_in_dim3A_25 = vector.broadcast %jit3A_23 : f32 to vector<64x128xf32>
    %broadcast_in_dim3A_26 = vector.broadcast %jit3A_24 : f32 to vector<64x128xf32>
    %select_n3A_27 = arith.select %eq3A_22, %broadcast_in_dim3A_25, %broadcast_in_dim3A_26 : vector<64x128xi1>, vector<64x128xf32>
    %add3A_28 = arith.addf %add3A_17, %select_n3A_27 : vector<64x128xf32>
    %get3A_29 = arith.constant 3 : index
    %get3A_30 = arith.constant 0 : index
    %get3A_31 = vector.load %arg0[%get3A_29, %get3A_30] : memref<80x128xi32, #tpu.memory_space<vmem>>, vector<1x128xi32>
    %eq3A_32 = vector.broadcast %get3A_31 : vector<1x128xi32> to vector<64x128xi32>
    %eq3A_33 = arith.cmpi eq, %iota3A, %eq3A_32 : vector<64x128xi32>
    %jit3A_34 = arith.constant 1.000000e+00 : f32
    %jit3A_35 = arith.constant 0.000000e+00 : f32
    %broadcast_in_dim3A_36 = vector.broadcast %jit3A_34 : f32 to vector<64x128xf32>
    %broadcast_in_dim3A_37 = vector.broadcast %jit3A_35 : f32 to vector<64x128xf32>
    %select_n3A_38 = arith.select %eq3A_33, %broadcast_in_dim3A_36, %broadcast_in_dim3A_37 : vector<64x128xi1>, vector<64x128xf32>
    %add3A_39 = arith.addf %add3A_28, %select_n3A_38 : vector<64x128xf32>
    %get3A_40 = arith.constant 4 : index
    %get3A_41 = arith.constant 0 : index
    %get3A_42 = vector.load %arg0[%get3A_40, %get3A_41] : memref<80x128xi32, #tpu.memory_space<vmem>>, vector<1x128xi32>
    %eq3A_43 = vector.broadcast %get3A_42 : vector<1x128xi32> to vector<64x128xi32>
    %eq3A_44 = arith.cmpi eq, %iota3A, %eq3A_43 : vector<64x128xi32>
    %jit3A_45 = arith.constant 1.000000e+00 : f32
    %jit3A_46 = arith.constant 0.000000e+00 : f32
    %broadcast_in_dim3A_47 = vector.broadcast %jit3A_45 : f32 to vector<64x128xf32>
    %broadcast_in_dim3A_48 = vector.broadcast %jit3A_46 : f32 to vector<64x128xf32>
    %select_n3A_49 = arith.select %eq3A_44, %broadcast_in_dim3A_47, %broadcast_in_dim3A_48 : vector<64x128xi1>, vector<64x128xf32>
    %add3A_50 = arith.addf %add3A_39, %select_n3A_49 : vector<64x128xf32>
    %get3A_51 = arith.constant 5 : index
    %get3A_52 = arith.constant 0 : index
    %get3A_53 = vector.load %arg0[%get3A_51, %get3A_52] : memref<80x128xi32, #tpu.memory_space<vmem>>, vector<1x128xi32>
    %eq3A_54 = vector.broadcast %get3A_53 : vector<1x128xi32> to vector<64x128xi32>
    %eq3A_55 = arith.cmpi eq, %iota3A, %eq3A_54 : vector<64x128xi32>
    %jit3A_56 = arith.constant 1.000000e+00 : f32
    %jit3A_57 = arith.constant 0.000000e+00 : f32
    %broadcast_in_dim3A_58 = vector.broadcast %jit3A_56 : f32 to vector<64x128xf32>
    %broadcast_in_dim3A_59 = vector.broadcast %jit3A_57 : f32 to vector<64x128xf32>
    %select_n3A_60 = arith.select %eq3A_55, %broadcast_in_dim3A_58, %broadcast_in_dim3A_59 : vector<64x128xi1>, vector<64x128xf32>
    %add3A_61 = arith.addf %add3A_50, %select_n3A_60 : vector<64x128xf32>
    %get3A_62 = arith.constant 6 : index
    %get3A_63 = arith.constant 0 : index
    %get3A_64 = vector.load %arg0[%get3A_62, %get3A_63] : memref<80x128xi32, #tpu.memory_space<vmem>>, vector<1x128xi32>
    %eq3A_65 = vector.broadcast %get3A_64 : vector<1x128xi32> to vector<64x128xi32>
    %eq3A_66 = arith.cmpi eq, %iota3A, %eq3A_65 : vector<64x128xi32>
    %jit3A_67 = arith.constant 1.000000e+00 : f32
    %jit3A_68 = arith.constant 0.000000e+00 : f32
    %broadcast_in_dim3A_69 = vector.broadcast %jit3A_67 : f32 to vector<64x128xf32>
    %broadcast_in_dim3A_70 = vector.broadcast %jit3A_68 : f32 to vector<64x128xf32>
    %select_n3A_71 = arith.select %eq3A_66, %broadcast_in_dim3A_69, %broadcast_in_dim3A_70 : vector<64x128xi1>, vector<64x128xf32>
    %add3A_72 = arith.addf %add3A_61, %select_n3A_71 : vector<64x128xf32>
    %get3A_73 = arith.constant 7 : index
    %get3A_74 = arith.constant 0 : index
    %get3A_75 = vector.load %arg0[%get3A_73, %get3A_74] : memref<80x128xi32, #tpu.memory_space<vmem>>, vector<1x128xi32>
    %eq3A_76 = vector.broadcast %get3A_75 : vector<1x128xi32> to vector<64x128xi32>
    %eq3A_77 = arith.cmpi eq, %iota3A, %eq3A_76 : vector<64x128xi32>
    %jit3A_78 = arith.constant 1.000000e+00 : f32
    %jit3A_79 = arith.constant 0.000000e+00 : f32
    %broadcast_in_dim3A_80 = vector.broadcast %jit3A_78 : f32 to vector<64x128xf32>
    %broadcast_in_dim3A_81 = vector.broadcast %jit3A_79 : f32 to vector<64x128xf32>
    %select_n3A_82 = arith.select %eq3A_77, %broadcast_in_dim3A_80, %broadcast_in_dim3A_81 : vector<64x128xi1>, vector<64x128xf32>
    %add3A_83 = arith.addf %add3A_72, %select_n3A_82 : vector<64x128xf32>
    %get3A_84 = arith.constant 8 : index
    %get3A_85 = arith.constant 0 : index
    %get3A_86 = vector.load %arg0[%get3A_84, %get3A_85] : memref<80x128xi32, #tpu.memory_space<vmem>>, vector<1x128xi32>
    %eq3A_87 = vector.broadcast %get3A_86 : vector<1x128xi32> to vector<64x128xi32>
    %eq3A_88 = arith.cmpi eq, %iota3A, %eq3A_87 : vector<64x128xi32>
    %jit3A_89 = arith.constant 1.000000e+00 : f32
    %jit3A_90 = arith.constant 0.000000e+00 : f32
    %broadcast_in_dim3A_91 = vector.broadcast %jit3A_89 : f32 to vector<64x128xf32>
    %broadcast_in_dim3A_92 = vector.broadcast %jit3A_90 : f32 to vector<64x128xf32>
    %select_n3A_93 = arith.select %eq3A_88, %broadcast_in_dim3A_91, %broadcast_in_dim3A_92 : vector<64x128xi1>, vector<64x128xf32>
    %add3A_94 = arith.addf %add3A_83, %select_n3A_93 : vector<64x128xf32>
    %get3A_95 = arith.constant 9 : index
    %get3A_96 = arith.constant 0 : index
    %get3A_97 = vector.load %arg0[%get3A_95, %get3A_96] : memref<80x128xi32, #tpu.memory_space<vmem>>, vector<1x128xi32>
    %eq3A_98 = vector.broadcast %get3A_97 : vector<1x128xi32> to vector<64x128xi32>
    %eq3A_99 = arith.cmpi eq, %iota3A, %eq3A_98 : vector<64x128xi32>
    %jit3A_100 = arith.constant 1.000000e+00 : f32
    %jit3A_101 = arith.constant 0.000000e+00 : f32
    %broadcast_in_dim3A_102 = vector.broadcast %jit3A_100 : f32 to vector<64x128xf32>
    %broadcast_in_dim3A_103 = vector.broadcast %jit3A_101 : f32 to vector<64x128xf32>
    %select_n3A_104 = arith.select %eq3A_99, %broadcast_in_dim3A_102, %broadcast_in_dim3A_103 : vector<64x128xi1>, vector<64x128xf32>
    %add3A_105 = arith.addf %add3A_94, %select_n3A_104 : vector<64x128xf32>
    %get3A_106 = arith.constant 10 : index
    %get3A_107 = arith.constant 0 : index
    %get3A_108 = vector.load %arg0[%get3A_106, %get3A_107] : memref<80x128xi32, #tpu.memory_space<vmem>>, vector<1x128xi32>
    %eq3A_109 = vector.broadcast %get3A_108 : vector<1x128xi32> to vector<64x128xi32>
    %eq3A_110 = arith.cmpi eq, %iota3A, %eq3A_109 : vector<64x128xi32>
    %jit3A_111 = arith.constant 1.000000e+00 : f32
    %jit3A_112 = arith.constant 0.000000e+00 : f32
    %broadcast_in_dim3A_113 = vector.broadcast %jit3A_111 : f32 to vector<64x128xf32>
    %broadcast_in_dim3A_114 = vector.broadcast %jit3A_112 : f32 to vector<64x128xf32>
    %select_n3A_115 = arith.select %eq3A_110, %broadcast_in_dim3A_113, %broadcast_in_dim3A_114 : vector<64x128xi1>, vector<64x128xf32>
    %add3A_116 = arith.addf %add3A_105, %select_n3A_115 : vector<64x128xf32>
    %get3A_117 = arith.constant 11 : index
    %get3A_118 = arith.constant 0 : index
    %get3A_119 = vector.load %arg0[%get3A_117, %get3A_118] : memref<80x128xi32, #tpu.memory_space<vmem>>, vector<1x128xi32>
    %eq3A_120 = vector.broadcast %get3A_119 : vector<1x128xi32> to vector<64x128xi32>
    %eq3A_121 = arith.cmpi eq, %iota3A, %eq3A_120 : vector<64x128xi32>
    %jit3A_122 = arith.constant 1.000000e+00 : f32
    %jit3A_123 = arith.constant 0.000000e+00 : f32
    %broadcast_in_dim3A_124 = vector.broadcast %jit3A_122 : f32 to vector<64x128xf32>
    %broadcast_in_dim3A_125 = vector.broadcast %jit3A_123 : f32 to vector<64x128xf32>
    %select_n3A_126 = arith.select %eq3A_121, %broadcast_in_dim3A_124, %broadcast_in_dim3A_125 : vector<64x128xi1>, vector<64x128xf32>
    %add3A_127 = arith.addf %add3A_116, %select_n3A_126 : vector<64x128xf32>
    %get3A_128 = arith.constant 12 : index
    %get3A_129 = arith.constant 0 : index
    %get3A_130 = vector.load %arg0[%get3A_128, %get3A_129] : memref<80x128xi32, #tpu.memory_space<vmem>>, vector<1x128xi32>
    %eq3A_131 = vector.broadcast %get3A_130 : vector<1x128xi32> to vector<64x128xi32>
    %eq3A_132 = arith.cmpi eq, %iota3A, %eq3A_131 : vector<64x128xi32>
    %jit3A_133 = arith.constant 1.000000e+00 : f32
    %jit3A_134 = arith.constant 0.000000e+00 : f32
    %broadcast_in_dim3A_135 = vector.broadcast %jit3A_133 : f32 to vector<64x128xf32>
    %broadcast_in_dim3A_136 = vector.broadcast %jit3A_134 : f32 to vector<64x128xf32>
    %select_n3A_137 = arith.select %eq3A_132, %broadcast_in_dim3A_135, %broadcast_in_dim3A_136 : vector<64x128xi1>, vector<64x128xf32>
    %add3A_138 = arith.addf %add3A_127, %select_n3A_137 : vector<64x128xf32>
    %get3A_139 = arith.constant 13 : index
    %get3A_140 = arith.constant 0 : index
    %get3A_141 = vector.load %arg0[%get3A_139, %get3A_140] : memref<80x128xi32, #tpu.memory_space<vmem>>, vector<1x128xi32>
    %eq3A_142 = vector.broadcast %get3A_141 : vector<1x128xi32> to vector<64x128xi32>
    %eq3A_143 = arith.cmpi eq, %iota3A, %eq3A_142 : vector<64x128xi32>
    %jit3A_144 = arith.constant 1.000000e+00 : f32
    %jit3A_145 = arith.constant 0.000000e+00 : f32
    %broadcast_in_dim3A_146 = vector.broadcast %jit3A_144 : f32 to vector<64x128xf32>
    %broadcast_in_dim3A_147 = vector.broadcast %jit3A_145 : f32 to vector<64x128xf32>
    %select_n3A_148 = arith.select %eq3A_143, %broadcast_in_dim3A_146, %broadcast_in_dim3A_147 : vector<64x128xi1>, vector<64x128xf32>
    %add3A_149 = arith.addf %add3A_138, %select_n3A_148 : vector<64x128xf32>
    %get3A_150 = arith.constant 14 : index
    %get3A_151 = arith.constant 0 : index
    %get3A_152 = vector.load %arg0[%get3A_150, %get3A_151] : memref<80x128xi32, #tpu.memory_space<vmem>>, vector<1x128xi32>
    %eq3A_153 = vector.broadcast %get3A_152 : vector<1x128xi32> to vector<64x128xi32>
    %eq3A_154 = arith.cmpi eq, %iota3A, %eq3A_153 : vector<64x128xi32>
    %jit3A_155 = arith.constant 1.000000e+00 : f32
    %jit3A_156 = arith.constant 0.000000e+00 : f32
    %broadcast_in_dim3A_157 = vector.broadcast %jit3A_155 : f32 to vector<64x128xf32>
    %broadcast_in_dim3A_158 = vector.broadcast %jit3A_156 : f32 to vector<64x128xf32>
    %select_n3A_159 = arith.select %eq3A_154, %broadcast_in_dim3A_157, %broadcast_in_dim3A_158 : vector<64x128xi1>, vector<64x128xf32>
    %add3A_160 = arith.addf %add3A_149, %select_n3A_159 : vector<64x128xf32>
    %get3A_161 = arith.constant 15 : index
    %get3A_162 = arith.constant 0 : index
    %get3A_163 = vector.load %arg0[%get3A_161, %get3A_162] : memref<80x128xi32, #tpu.memory_space<vmem>>, vector<1x128xi32>
    %eq3A_164 = vector.broadcast %get3A_163 : vector<1x128xi32> to vector<64x128xi32>
    %eq3A_165 = arith.cmpi eq, %iota3A, %eq3A_164 : vector<64x128xi32>
    %jit3A_166 = arith.constant 1.000000e+00 : f32
    %jit3A_167 = arith.constant 0.000000e+00 : f32
    %broadcast_in_dim3A_168 = vector.broadcast %jit3A_166 : f32 to vector<64x128xf32>
    %broadcast_in_dim3A_169 = vector.broadcast %jit3A_167 : f32 to vector<64x128xf32>
    %select_n3A_170 = arith.select %eq3A_165, %broadcast_in_dim3A_168, %broadcast_in_dim3A_169 : vector<64x128xi1>, vector<64x128xf32>
    %add3A_171 = arith.addf %add3A_160, %select_n3A_170 : vector<64x128xf32>
    %get3A_172 = arith.constant 16 : index
    %get3A_173 = arith.constant 0 : index
    %get3A_174 = vector.load %arg0[%get3A_172, %get3A_173] : memref<80x128xi32, #tpu.memory_space<vmem>>, vector<1x128xi32>
    %eq3A_175 = vector.broadcast %get3A_174 : vector<1x128xi32> to vector<64x128xi32>
    %eq3A_176 = arith.cmpi eq, %iota3A, %eq3A_175 : vector<64x128xi32>
    %jit3A_177 = arith.constant 1.000000e+00 : f32
    %jit3A_178 = arith.constant 0.000000e+00 : f32
    %broadcast_in_dim3A_179 = vector.broadcast %jit3A_177 : f32 to vector<64x128xf32>
    %broadcast_in_dim3A_180 = vector.broadcast %jit3A_178 : f32 to vector<64x128xf32>
    %select_n3A_181 = arith.select %eq3A_176, %broadcast_in_dim3A_179, %broadcast_in_dim3A_180 : vector<64x128xi1>, vector<64x128xf32>
    %add3A_182 = arith.addf %add3A_171, %select_n3A_181 : vector<64x128xf32>
    %get3A_183 = arith.constant 17 : index
    %get3A_184 = arith.constant 0 : index
    %get3A_185 = vector.load %arg0[%get3A_183, %get3A_184] : memref<80x128xi32, #tpu.memory_space<vmem>>, vector<1x128xi32>
    %eq3A_186 = vector.broadcast %get3A_185 : vector<1x128xi32> to vector<64x128xi32>
    %eq3A_187 = arith.cmpi eq, %iota3A, %eq3A_186 : vector<64x128xi32>
    %jit3A_188 = arith.constant 1.000000e+00 : f32
    %jit3A_189 = arith.constant 0.000000e+00 : f32
    %broadcast_in_dim3A_190 = vector.broadcast %jit3A_188 : f32 to vector<64x128xf32>
    %broadcast_in_dim3A_191 = vector.broadcast %jit3A_189 : f32 to vector<64x128xf32>
    %select_n3A_192 = arith.select %eq3A_187, %broadcast_in_dim3A_190, %broadcast_in_dim3A_191 : vector<64x128xi1>, vector<64x128xf32>
    %add3A_193 = arith.addf %add3A_182, %select_n3A_192 : vector<64x128xf32>
    %get3A_194 = arith.constant 18 : index
    %get3A_195 = arith.constant 0 : index
    %get3A_196 = vector.load %arg0[%get3A_194, %get3A_195] : memref<80x128xi32, #tpu.memory_space<vmem>>, vector<1x128xi32>
    %eq3A_197 = vector.broadcast %get3A_196 : vector<1x128xi32> to vector<64x128xi32>
    %eq3A_198 = arith.cmpi eq, %iota3A, %eq3A_197 : vector<64x128xi32>
    %jit3A_199 = arith.constant 1.000000e+00 : f32
    %jit3A_200 = arith.constant 0.000000e+00 : f32
    %broadcast_in_dim3A_201 = vector.broadcast %jit3A_199 : f32 to vector<64x128xf32>
    %broadcast_in_dim3A_202 = vector.broadcast %jit3A_200 : f32 to vector<64x128xf32>
    %select_n3A_203 = arith.select %eq3A_198, %broadcast_in_dim3A_201, %broadcast_in_dim3A_202 : vector<64x128xi1>, vector<64x128xf32>
    %add3A_204 = arith.addf %add3A_193, %select_n3A_203 : vector<64x128xf32>
    %get3A_205 = arith.constant 19 : index
    %get3A_206 = arith.constant 0 : index
    %get3A_207 = vector.load %arg0[%get3A_205, %get3A_206] : memref<80x128xi32, #tpu.memory_space<vmem>>, vector<1x128xi32>
    %eq3A_208 = vector.broadcast %get3A_207 : vector<1x128xi32> to vector<64x128xi32>
    %eq3A_209 = arith.cmpi eq, %iota3A, %eq3A_208 : vector<64x128xi32>
    %jit3A_210 = arith.constant 1.000000e+00 : f32
    %jit3A_211 = arith.constant 0.000000e+00 : f32
    %broadcast_in_dim3A_212 = vector.broadcast %jit3A_210 : f32 to vector<64x128xf32>
    %broadcast_in_dim3A_213 = vector.broadcast %jit3A_211 : f32 to vector<64x128xf32>
    %select_n3A_214 = arith.select %eq3A_209, %broadcast_in_dim3A_212, %broadcast_in_dim3A_213 : vector<64x128xi1>, vector<64x128xf32>
    %add3A_215 = arith.addf %add3A_204, %select_n3A_214 : vector<64x128xf32>
    %get3A_216 = arith.constant 20 : index
    %get3A_217 = arith.constant 0 : index
    %get3A_218 = vector.load %arg0[%get3A_216, %get3A_217] : memref<80x128xi32, #tpu.memory_space<vmem>>, vector<1x128xi32>
    %eq3A_219 = vector.broadcast %get3A_218 : vector<1x128xi32> to vector<64x128xi32>
    %eq3A_220 = arith.cmpi eq, %iota3A, %eq3A_219 : vector<64x128xi32>
    %jit3A_221 = arith.constant 1.000000e+00 : f32
    %jit3A_222 = arith.constant 0.000000e+00 : f32
    %broadcast_in_dim3A_223 = vector.broadcast %jit3A_221 : f32 to vector<64x128xf32>
    %broadcast_in_dim3A_224 = vector.broadcast %jit3A_222 : f32 to vector<64x128xf32>
    %select_n3A_225 = arith.select %eq3A_220, %broadcast_in_dim3A_223, %broadcast_in_dim3A_224 : vector<64x128xi1>, vector<64x128xf32>
    %add3A_226 = arith.addf %add3A_215, %select_n3A_225 : vector<64x128xf32>
    %get3A_227 = arith.constant 21 : index
    %get3A_228 = arith.constant 0 : index
    %get3A_229 = vector.load %arg0[%get3A_227, %get3A_228] : memref<80x128xi32, #tpu.memory_space<vmem>>, vector<1x128xi32>
    %eq3A_230 = vector.broadcast %get3A_229 : vector<1x128xi32> to vector<64x128xi32>
    %eq3A_231 = arith.cmpi eq, %iota3A, %eq3A_230 : vector<64x128xi32>
    %jit3A_232 = arith.constant 1.000000e+00 : f32
    %jit3A_233 = arith.constant 0.000000e+00 : f32
    %broadcast_in_dim3A_234 = vector.broadcast %jit3A_232 : f32 to vector<64x128xf32>
    %broadcast_in_dim3A_235 = vector.broadcast %jit3A_233 : f32 to vector<64x128xf32>
    %select_n3A_236 = arith.select %eq3A_231, %broadcast_in_dim3A_234, %broadcast_in_dim3A_235 : vector<64x128xi1>, vector<64x128xf32>
    %add3A_237 = arith.addf %add3A_226, %select_n3A_236 : vector<64x128xf32>
    %get3A_238 = arith.constant 22 : index
    %get3A_239 = arith.constant 0 : index
    %get3A_240 = vector.load %arg0[%get3A_238, %get3A_239] : memref<80x128xi32, #tpu.memory_space<vmem>>, vector<1x128xi32>
    %eq3A_241 = vector.broadcast %get3A_240 : vector<1x128xi32> to vector<64x128xi32>
    %eq3A_242 = arith.cmpi eq, %iota3A, %eq3A_241 : vector<64x128xi32>
    %jit3A_243 = arith.constant 1.000000e+00 : f32
    %jit3A_244 = arith.constant 0.000000e+00 : f32
    %broadcast_in_dim3A_245 = vector.broadcast %jit3A_243 : f32 to vector<64x128xf32>
    %broadcast_in_dim3A_246 = vector.broadcast %jit3A_244 : f32 to vector<64x128xf32>
    %select_n3A_247 = arith.select %eq3A_242, %broadcast_in_dim3A_245, %broadcast_in_dim3A_246 : vector<64x128xi1>, vector<64x128xf32>
    %add3A_248 = arith.addf %add3A_237, %select_n3A_247 : vector<64x128xf32>
    %get3A_249 = arith.constant 23 : index
    %get3A_250 = arith.constant 0 : index
    %get3A_251 = vector.load %arg0[%get3A_249, %get3A_250] : memref<80x128xi32, #tpu.memory_space<vmem>>, vector<1x128xi32>
    %eq3A_252 = vector.broadcast %get3A_251 : vector<1x128xi32> to vector<64x128xi32>
    %eq3A_253 = arith.cmpi eq, %iota3A, %eq3A_252 : vector<64x128xi32>
    %jit3A_254 = arith.constant 1.000000e+00 : f32
    %jit3A_255 = arith.constant 0.000000e+00 : f32
    %broadcast_in_dim3A_256 = vector.broadcast %jit3A_254 : f32 to vector<64x128xf32>
    %broadcast_in_dim3A_257 = vector.broadcast %jit3A_255 : f32 to vector<64x128xf32>
    %select_n3A_258 = arith.select %eq3A_253, %broadcast_in_dim3A_256, %broadcast_in_dim3A_257 : vector<64x128xi1>, vector<64x128xf32>
    %add3A_259 = arith.addf %add3A_248, %select_n3A_258 : vector<64x128xf32>
    %get3A_260 = arith.constant 24 : index
    %get3A_261 = arith.constant 0 : index
    %get3A_262 = vector.load %arg0[%get3A_260, %get3A_261] : memref<80x128xi32, #tpu.memory_space<vmem>>, vector<1x128xi32>
    %eq3A_263 = vector.broadcast %get3A_262 : vector<1x128xi32> to vector<64x128xi32>
    %eq3A_264 = arith.cmpi eq, %iota3A, %eq3A_263 : vector<64x128xi32>
    %jit3A_265 = arith.constant 1.000000e+00 : f32
    %jit3A_266 = arith.constant 0.000000e+00 : f32
    %broadcast_in_dim3A_267 = vector.broadcast %jit3A_265 : f32 to vector<64x128xf32>
    %broadcast_in_dim3A_268 = vector.broadcast %jit3A_266 : f32 to vector<64x128xf32>
    %select_n3A_269 = arith.select %eq3A_264, %broadcast_in_dim3A_267, %broadcast_in_dim3A_268 : vector<64x128xi1>, vector<64x128xf32>
    %add3A_270 = arith.addf %add3A_259, %select_n3A_269 : vector<64x128xf32>
    %get3A_271 = arith.constant 25 : index
    %get3A_272 = arith.constant 0 : index
    %get3A_273 = vector.load %arg0[%get3A_271, %get3A_272] : memref<80x128xi32, #tpu.memory_space<vmem>>, vector<1x128xi32>
    %eq3A_274 = vector.broadcast %get3A_273 : vector<1x128xi32> to vector<64x128xi32>
    %eq3A_275 = arith.cmpi eq, %iota3A, %eq3A_274 : vector<64x128xi32>
    %jit3A_276 = arith.constant 1.000000e+00 : f32
    %jit3A_277 = arith.constant 0.000000e+00 : f32
    %broadcast_in_dim3A_278 = vector.broadcast %jit3A_276 : f32 to vector<64x128xf32>
    %broadcast_in_dim3A_279 = vector.broadcast %jit3A_277 : f32 to vector<64x128xf32>
    %select_n3A_280 = arith.select %eq3A_275, %broadcast_in_dim3A_278, %broadcast_in_dim3A_279 : vector<64x128xi1>, vector<64x128xf32>
    %add3A_281 = arith.addf %add3A_270, %select_n3A_280 : vector<64x128xf32>
    %get3A_282 = arith.constant 26 : index
    %get3A_283 = arith.constant 0 : index
    %get3A_284 = vector.load %arg0[%get3A_282, %get3A_283] : memref<80x128xi32, #tpu.memory_space<vmem>>, vector<1x128xi32>
    %eq3A_285 = vector.broadcast %get3A_284 : vector<1x128xi32> to vector<64x128xi32>
    %eq3A_286 = arith.cmpi eq, %iota3A, %eq3A_285 : vector<64x128xi32>
    %jit3A_287 = arith.constant 1.000000e+00 : f32
    %jit3A_288 = arith.constant 0.000000e+00 : f32
    %broadcast_in_dim3A_289 = vector.broadcast %jit3A_287 : f32 to vector<64x128xf32>
    %broadcast_in_dim3A_290 = vector.broadcast %jit3A_288 : f32 to vector<64x128xf32>
    %select_n3A_291 = arith.select %eq3A_286, %broadcast_in_dim3A_289, %broadcast_in_dim3A_290 : vector<64x128xi1>, vector<64x128xf32>
    %add3A_292 = arith.addf %add3A_281, %select_n3A_291 : vector<64x128xf32>
    %get3A_293 = arith.constant 27 : index
    %get3A_294 = arith.constant 0 : index
    %get3A_295 = vector.load %arg0[%get3A_293, %get3A_294] : memref<80x128xi32, #tpu.memory_space<vmem>>, vector<1x128xi32>
    %eq3A_296 = vector.broadcast %get3A_295 : vector<1x128xi32> to vector<64x128xi32>
    %eq3A_297 = arith.cmpi eq, %iota3A, %eq3A_296 : vector<64x128xi32>
    %jit3A_298 = arith.constant 1.000000e+00 : f32
    %jit3A_299 = arith.constant 0.000000e+00 : f32
    %broadcast_in_dim3A_300 = vector.broadcast %jit3A_298 : f32 to vector<64x128xf32>
    %broadcast_in_dim3A_301 = vector.broadcast %jit3A_299 : f32 to vector<64x128xf32>
    %select_n3A_302 = arith.select %eq3A_297, %broadcast_in_dim3A_300, %broadcast_in_dim3A_301 : vector<64x128xi1>, vector<64x128xf32>
    %add3A_303 = arith.addf %add3A_292, %select_n3A_302 : vector<64x128xf32>
    %get3A_304 = arith.constant 28 : index
    %get3A_305 = arith.constant 0 : index
    %get3A_306 = vector.load %arg0[%get3A_304, %get3A_305] : memref<80x128xi32, #tpu.memory_space<vmem>>, vector<1x128xi32>
    %eq3A_307 = vector.broadcast %get3A_306 : vector<1x128xi32> to vector<64x128xi32>
    %eq3A_308 = arith.cmpi eq, %iota3A, %eq3A_307 : vector<64x128xi32>
    %jit3A_309 = arith.constant 1.000000e+00 : f32
    %jit3A_310 = arith.constant 0.000000e+00 : f32
    %broadcast_in_dim3A_311 = vector.broadcast %jit3A_309 : f32 to vector<64x128xf32>
    %broadcast_in_dim3A_312 = vector.broadcast %jit3A_310 : f32 to vector<64x128xf32>
    %select_n3A_313 = arith.select %eq3A_308, %broadcast_in_dim3A_311, %broadcast_in_dim3A_312 : vector<64x128xi1>, vector<64x128xf32>
    %add3A_314 = arith.addf %add3A_303, %select_n3A_313 : vector<64x128xf32>
    %get3A_315 = arith.constant 29 : index
    %get3A_316 = arith.constant 0 : index
    %get3A_317 = vector.load %arg0[%get3A_315, %get3A_316] : memref<80x128xi32, #tpu.memory_space<vmem>>, vector<1x128xi32>
    %eq3A_318 = vector.broadcast %get3A_317 : vector<1x128xi32> to vector<64x128xi32>
    %eq3A_319 = arith.cmpi eq, %iota3A, %eq3A_318 : vector<64x128xi32>
    %jit3A_320 = arith.constant 1.000000e+00 : f32
    %jit3A_321 = arith.constant 0.000000e+00 : f32
    %broadcast_in_dim3A_322 = vector.broadcast %jit3A_320 : f32 to vector<64x128xf32>
    %broadcast_in_dim3A_323 = vector.broadcast %jit3A_321 : f32 to vector<64x128xf32>
    %select_n3A_324 = arith.select %eq3A_319, %broadcast_in_dim3A_322, %broadcast_in_dim3A_323 : vector<64x128xi1>, vector<64x128xf32>
    %add3A_325 = arith.addf %add3A_314, %select_n3A_324 : vector<64x128xf32>
    %get3A_326 = arith.constant 30 : index
    %get3A_327 = arith.constant 0 : index
    %get3A_328 = vector.load %arg0[%get3A_326, %get3A_327] : memref<80x128xi32, #tpu.memory_space<vmem>>, vector<1x128xi32>
    %eq3A_329 = vector.broadcast %get3A_328 : vector<1x128xi32> to vector<64x128xi32>
    %eq3A_330 = arith.cmpi eq, %iota3A, %eq3A_329 : vector<64x128xi32>
    %jit3A_331 = arith.constant 1.000000e+00 : f32
    %jit3A_332 = arith.constant 0.000000e+00 : f32
    %broadcast_in_dim3A_333 = vector.broadcast %jit3A_331 : f32 to vector<64x128xf32>
    %broadcast_in_dim3A_334 = vector.broadcast %jit3A_332 : f32 to vector<64x128xf32>
    %select_n3A_335 = arith.select %eq3A_330, %broadcast_in_dim3A_333, %broadcast_in_dim3A_334 : vector<64x128xi1>, vector<64x128xf32>
    %add3A_336 = arith.addf %add3A_325, %select_n3A_335 : vector<64x128xf32>
    %get3A_337 = arith.constant 31 : index
    %get3A_338 = arith.constant 0 : index
    %get3A_339 = vector.load %arg0[%get3A_337, %get3A_338] : memref<80x128xi32, #tpu.memory_space<vmem>>, vector<1x128xi32>
    %eq3A_340 = vector.broadcast %get3A_339 : vector<1x128xi32> to vector<64x128xi32>
    %eq3A_341 = arith.cmpi eq, %iota3A, %eq3A_340 : vector<64x128xi32>
    %jit3A_342 = arith.constant 1.000000e+00 : f32
    %jit3A_343 = arith.constant 0.000000e+00 : f32
    %broadcast_in_dim3A_344 = vector.broadcast %jit3A_342 : f32 to vector<64x128xf32>
    %broadcast_in_dim3A_345 = vector.broadcast %jit3A_343 : f32 to vector<64x128xf32>
    %select_n3A_346 = arith.select %eq3A_341, %broadcast_in_dim3A_344, %broadcast_in_dim3A_345 : vector<64x128xi1>, vector<64x128xf32>
    %add3A_347 = arith.addf %add3A_336, %select_n3A_346 : vector<64x128xf32>
    %get3A_348 = arith.constant 32 : index
    %get3A_349 = arith.constant 0 : index
    %get3A_350 = vector.load %arg0[%get3A_348, %get3A_349] : memref<80x128xi32, #tpu.memory_space<vmem>>, vector<1x128xi32>
    %eq3A_351 = vector.broadcast %get3A_350 : vector<1x128xi32> to vector<64x128xi32>
    %eq3A_352 = arith.cmpi eq, %iota3A, %eq3A_351 : vector<64x128xi32>
    %jit3A_353 = arith.constant 1.000000e+00 : f32
    %jit3A_354 = arith.constant 0.000000e+00 : f32
    %broadcast_in_dim3A_355 = vector.broadcast %jit3A_353 : f32 to vector<64x128xf32>
    %broadcast_in_dim3A_356 = vector.broadcast %jit3A_354 : f32 to vector<64x128xf32>
    %select_n3A_357 = arith.select %eq3A_352, %broadcast_in_dim3A_355, %broadcast_in_dim3A_356 : vector<64x128xi1>, vector<64x128xf32>
    %add3A_358 = arith.addf %add3A_347, %select_n3A_357 : vector<64x128xf32>
    %get3A_359 = arith.constant 33 : index
    %get3A_360 = arith.constant 0 : index
    %get3A_361 = vector.load %arg0[%get3A_359, %get3A_360] : memref<80x128xi32, #tpu.memory_space<vmem>>, vector<1x128xi32>
    %eq3A_362 = vector.broadcast %get3A_361 : vector<1x128xi32> to vector<64x128xi32>
    %eq3A_363 = arith.cmpi eq, %iota3A, %eq3A_362 : vector<64x128xi32>
    %jit3A_364 = arith.constant 1.000000e+00 : f32
    %jit3A_365 = arith.constant 0.000000e+00 : f32
    %broadcast_in_dim3A_366 = vector.broadcast %jit3A_364 : f32 to vector<64x128xf32>
    %broadcast_in_dim3A_367 = vector.broadcast %jit3A_365 : f32 to vector<64x128xf32>
    %select_n3A_368 = arith.select %eq3A_363, %broadcast_in_dim3A_366, %broadcast_in_dim3A_367 : vector<64x128xi1>, vector<64x128xf32>
    %add3A_369 = arith.addf %add3A_358, %select_n3A_368 : vector<64x128xf32>
    %get3A_370 = arith.constant 34 : index
    %get3A_371 = arith.constant 0 : index
    %get3A_372 = vector.load %arg0[%get3A_370, %get3A_371] : memref<80x128xi32, #tpu.memory_space<vmem>>, vector<1x128xi32>
    %eq3A_373 = vector.broadcast %get3A_372 : vector<1x128xi32> to vector<64x128xi32>
    %eq3A_374 = arith.cmpi eq, %iota3A, %eq3A_373 : vector<64x128xi32>
    %jit3A_375 = arith.constant 1.000000e+00 : f32
    %jit3A_376 = arith.constant 0.000000e+00 : f32
    %broadcast_in_dim3A_377 = vector.broadcast %jit3A_375 : f32 to vector<64x128xf32>
    %broadcast_in_dim3A_378 = vector.broadcast %jit3A_376 : f32 to vector<64x128xf32>
    %select_n3A_379 = arith.select %eq3A_374, %broadcast_in_dim3A_377, %broadcast_in_dim3A_378 : vector<64x128xi1>, vector<64x128xf32>
    %add3A_380 = arith.addf %add3A_369, %select_n3A_379 : vector<64x128xf32>
    %get3A_381 = arith.constant 35 : index
    %get3A_382 = arith.constant 0 : index
    %get3A_383 = vector.load %arg0[%get3A_381, %get3A_382] : memref<80x128xi32, #tpu.memory_space<vmem>>, vector<1x128xi32>
    %eq3A_384 = vector.broadcast %get3A_383 : vector<1x128xi32> to vector<64x128xi32>
    %eq3A_385 = arith.cmpi eq, %iota3A, %eq3A_384 : vector<64x128xi32>
    %jit3A_386 = arith.constant 1.000000e+00 : f32
    %jit3A_387 = arith.constant 0.000000e+00 : f32
    %broadcast_in_dim3A_388 = vector.broadcast %jit3A_386 : f32 to vector<64x128xf32>
    %broadcast_in_dim3A_389 = vector.broadcast %jit3A_387 : f32 to vector<64x128xf32>
    %select_n3A_390 = arith.select %eq3A_385, %broadcast_in_dim3A_388, %broadcast_in_dim3A_389 : vector<64x128xi1>, vector<64x128xf32>
    %add3A_391 = arith.addf %add3A_380, %select_n3A_390 : vector<64x128xf32>
    %get3A_392 = arith.constant 36 : index
    %get3A_393 = arith.constant 0 : index
    %get3A_394 = vector.load %arg0[%get3A_392, %get3A_393] : memref<80x128xi32, #tpu.memory_space<vmem>>, vector<1x128xi32>
    %eq3A_395 = vector.broadcast %get3A_394 : vector<1x128xi32> to vector<64x128xi32>
    %eq3A_396 = arith.cmpi eq, %iota3A, %eq3A_395 : vector<64x128xi32>
    %jit3A_397 = arith.constant 1.000000e+00 : f32
    %jit3A_398 = arith.constant 0.000000e+00 : f32
    %broadcast_in_dim3A_399 = vector.broadcast %jit3A_397 : f32 to vector<64x128xf32>
    %broadcast_in_dim3A_400 = vector.broadcast %jit3A_398 : f32 to vector<64x128xf32>
    %select_n3A_401 = arith.select %eq3A_396, %broadcast_in_dim3A_399, %broadcast_in_dim3A_400 : vector<64x128xi1>, vector<64x128xf32>
    %add3A_402 = arith.addf %add3A_391, %select_n3A_401 : vector<64x128xf32>
    %get3A_403 = arith.constant 37 : index
    %get3A_404 = arith.constant 0 : index
    %get3A_405 = vector.load %arg0[%get3A_403, %get3A_404] : memref<80x128xi32, #tpu.memory_space<vmem>>, vector<1x128xi32>
    %eq3A_406 = vector.broadcast %get3A_405 : vector<1x128xi32> to vector<64x128xi32>
    %eq3A_407 = arith.cmpi eq, %iota3A, %eq3A_406 : vector<64x128xi32>
    %jit3A_408 = arith.constant 1.000000e+00 : f32
    %jit3A_409 = arith.constant 0.000000e+00 : f32
    %broadcast_in_dim3A_410 = vector.broadcast %jit3A_408 : f32 to vector<64x128xf32>
    %broadcast_in_dim3A_411 = vector.broadcast %jit3A_409 : f32 to vector<64x128xf32>
    %select_n3A_412 = arith.select %eq3A_407, %broadcast_in_dim3A_410, %broadcast_in_dim3A_411 : vector<64x128xi1>, vector<64x128xf32>
    %add3A_413 = arith.addf %add3A_402, %select_n3A_412 : vector<64x128xf32>
    %get3A_414 = arith.constant 38 : index
    %get3A_415 = arith.constant 0 : index
    %get3A_416 = vector.load %arg0[%get3A_414, %get3A_415] : memref<80x128xi32, #tpu.memory_space<vmem>>, vector<1x128xi32>
    %eq3A_417 = vector.broadcast %get3A_416 : vector<1x128xi32> to vector<64x128xi32>
    %eq3A_418 = arith.cmpi eq, %iota3A, %eq3A_417 : vector<64x128xi32>
    %jit3A_419 = arith.constant 1.000000e+00 : f32
    %jit3A_420 = arith.constant 0.000000e+00 : f32
    %broadcast_in_dim3A_421 = vector.broadcast %jit3A_419 : f32 to vector<64x128xf32>
    %broadcast_in_dim3A_422 = vector.broadcast %jit3A_420 : f32 to vector<64x128xf32>
    %select_n3A_423 = arith.select %eq3A_418, %broadcast_in_dim3A_421, %broadcast_in_dim3A_422 : vector<64x128xi1>, vector<64x128xf32>
    %add3A_424 = arith.addf %add3A_413, %select_n3A_423 : vector<64x128xf32>
    %get3A_425 = arith.constant 39 : index
    %get3A_426 = arith.constant 0 : index
    %get3A_427 = vector.load %arg0[%get3A_425, %get3A_426] : memref<80x128xi32, #tpu.memory_space<vmem>>, vector<1x128xi32>
    %eq3A_428 = vector.broadcast %get3A_427 : vector<1x128xi32> to vector<64x128xi32>
    %eq3A_429 = arith.cmpi eq, %iota3A, %eq3A_428 : vector<64x128xi32>
    %jit3A_430 = arith.constant 1.000000e+00 : f32
    %jit3A_431 = arith.constant 0.000000e+00 : f32
    %broadcast_in_dim3A_432 = vector.broadcast %jit3A_430 : f32 to vector<64x128xf32>
    %broadcast_in_dim3A_433 = vector.broadcast %jit3A_431 : f32 to vector<64x128xf32>
    %select_n3A_434 = arith.select %eq3A_429, %broadcast_in_dim3A_432, %broadcast_in_dim3A_433 : vector<64x128xi1>, vector<64x128xf32>
    %add3A_435 = arith.addf %add3A_424, %select_n3A_434 : vector<64x128xf32>
    %get3A_436 = arith.constant 40 : index
    %get3A_437 = arith.constant 0 : index
    %get3A_438 = vector.load %arg0[%get3A_436, %get3A_437] : memref<80x128xi32, #tpu.memory_space<vmem>>, vector<1x128xi32>
    %eq3A_439 = vector.broadcast %get3A_438 : vector<1x128xi32> to vector<64x128xi32>
    %eq3A_440 = arith.cmpi eq, %iota3A, %eq3A_439 : vector<64x128xi32>
    %jit3A_441 = arith.constant 1.000000e+00 : f32
    %jit3A_442 = arith.constant 0.000000e+00 : f32
    %broadcast_in_dim3A_443 = vector.broadcast %jit3A_441 : f32 to vector<64x128xf32>
    %broadcast_in_dim3A_444 = vector.broadcast %jit3A_442 : f32 to vector<64x128xf32>
    %select_n3A_445 = arith.select %eq3A_440, %broadcast_in_dim3A_443, %broadcast_in_dim3A_444 : vector<64x128xi1>, vector<64x128xf32>
    %add3A_446 = arith.addf %add3A_435, %select_n3A_445 : vector<64x128xf32>
    %get3A_447 = arith.constant 41 : index
    %get3A_448 = arith.constant 0 : index
    %get3A_449 = vector.load %arg0[%get3A_447, %get3A_448] : memref<80x128xi32, #tpu.memory_space<vmem>>, vector<1x128xi32>
    %eq3A_450 = vector.broadcast %get3A_449 : vector<1x128xi32> to vector<64x128xi32>
    %eq3A_451 = arith.cmpi eq, %iota3A, %eq3A_450 : vector<64x128xi32>
    %jit3A_452 = arith.constant 1.000000e+00 : f32
    %jit3A_453 = arith.constant 0.000000e+00 : f32
    %broadcast_in_dim3A_454 = vector.broadcast %jit3A_452 : f32 to vector<64x128xf32>
    %broadcast_in_dim3A_455 = vector.broadcast %jit3A_453 : f32 to vector<64x128xf32>
    %select_n3A_456 = arith.select %eq3A_451, %broadcast_in_dim3A_454, %broadcast_in_dim3A_455 : vector<64x128xi1>, vector<64x128xf32>
    %add3A_457 = arith.addf %add3A_446, %select_n3A_456 : vector<64x128xf32>
    %get3A_458 = arith.constant 42 : index
    %get3A_459 = arith.constant 0 : index
    %get3A_460 = vector.load %arg0[%get3A_458, %get3A_459] : memref<80x128xi32, #tpu.memory_space<vmem>>, vector<1x128xi32>
    %eq3A_461 = vector.broadcast %get3A_460 : vector<1x128xi32> to vector<64x128xi32>
    %eq3A_462 = arith.cmpi eq, %iota3A, %eq3A_461 : vector<64x128xi32>
    %jit3A_463 = arith.constant 1.000000e+00 : f32
    %jit3A_464 = arith.constant 0.000000e+00 : f32
    %broadcast_in_dim3A_465 = vector.broadcast %jit3A_463 : f32 to vector<64x128xf32>
    %broadcast_in_dim3A_466 = vector.broadcast %jit3A_464 : f32 to vector<64x128xf32>
    %select_n3A_467 = arith.select %eq3A_462, %broadcast_in_dim3A_465, %broadcast_in_dim3A_466 : vector<64x128xi1>, vector<64x128xf32>
    %add3A_468 = arith.addf %add3A_457, %select_n3A_467 : vector<64x128xf32>
    %get3A_469 = arith.constant 43 : index
    %get3A_470 = arith.constant 0 : index
    %get3A_471 = vector.load %arg0[%get3A_469, %get3A_470] : memref<80x128xi32, #tpu.memory_space<vmem>>, vector<1x128xi32>
    %eq3A_472 = vector.broadcast %get3A_471 : vector<1x128xi32> to vector<64x128xi32>
    %eq3A_473 = arith.cmpi eq, %iota3A, %eq3A_472 : vector<64x128xi32>
    %jit3A_474 = arith.constant 1.000000e+00 : f32
    %jit3A_475 = arith.constant 0.000000e+00 : f32
    %broadcast_in_dim3A_476 = vector.broadcast %jit3A_474 : f32 to vector<64x128xf32>
    %broadcast_in_dim3A_477 = vector.broadcast %jit3A_475 : f32 to vector<64x128xf32>
    %select_n3A_478 = arith.select %eq3A_473, %broadcast_in_dim3A_476, %broadcast_in_dim3A_477 : vector<64x128xi1>, vector<64x128xf32>
    %add3A_479 = arith.addf %add3A_468, %select_n3A_478 : vector<64x128xf32>
    %get3A_480 = arith.constant 44 : index
    %get3A_481 = arith.constant 0 : index
    %get3A_482 = vector.load %arg0[%get3A_480, %get3A_481] : memref<80x128xi32, #tpu.memory_space<vmem>>, vector<1x128xi32>
    %eq3A_483 = vector.broadcast %get3A_482 : vector<1x128xi32> to vector<64x128xi32>
    %eq3A_484 = arith.cmpi eq, %iota3A, %eq3A_483 : vector<64x128xi32>
    %jit3A_485 = arith.constant 1.000000e+00 : f32
    %jit3A_486 = arith.constant 0.000000e+00 : f32
    %broadcast_in_dim3A_487 = vector.broadcast %jit3A_485 : f32 to vector<64x128xf32>
    %broadcast_in_dim3A_488 = vector.broadcast %jit3A_486 : f32 to vector<64x128xf32>
    %select_n3A_489 = arith.select %eq3A_484, %broadcast_in_dim3A_487, %broadcast_in_dim3A_488 : vector<64x128xi1>, vector<64x128xf32>
    %add3A_490 = arith.addf %add3A_479, %select_n3A_489 : vector<64x128xf32>
    %get3A_491 = arith.constant 45 : index
    %get3A_492 = arith.constant 0 : index
    %get3A_493 = vector.load %arg0[%get3A_491, %get3A_492] : memref<80x128xi32, #tpu.memory_space<vmem>>, vector<1x128xi32>
    %eq3A_494 = vector.broadcast %get3A_493 : vector<1x128xi32> to vector<64x128xi32>
    %eq3A_495 = arith.cmpi eq, %iota3A, %eq3A_494 : vector<64x128xi32>
    %jit3A_496 = arith.constant 1.000000e+00 : f32
    %jit3A_497 = arith.constant 0.000000e+00 : f32
    %broadcast_in_dim3A_498 = vector.broadcast %jit3A_496 : f32 to vector<64x128xf32>
    %broadcast_in_dim3A_499 = vector.broadcast %jit3A_497 : f32 to vector<64x128xf32>
    %select_n3A_500 = arith.select %eq3A_495, %broadcast_in_dim3A_498, %broadcast_in_dim3A_499 : vector<64x128xi1>, vector<64x128xf32>
    %add3A_501 = arith.addf %add3A_490, %select_n3A_500 : vector<64x128xf32>
    %get3A_502 = arith.constant 46 : index
    %get3A_503 = arith.constant 0 : index
    %get3A_504 = vector.load %arg0[%get3A_502, %get3A_503] : memref<80x128xi32, #tpu.memory_space<vmem>>, vector<1x128xi32>
    %eq3A_505 = vector.broadcast %get3A_504 : vector<1x128xi32> to vector<64x128xi32>
    %eq3A_506 = arith.cmpi eq, %iota3A, %eq3A_505 : vector<64x128xi32>
    %jit3A_507 = arith.constant 1.000000e+00 : f32
    %jit3A_508 = arith.constant 0.000000e+00 : f32
    %broadcast_in_dim3A_509 = vector.broadcast %jit3A_507 : f32 to vector<64x128xf32>
    %broadcast_in_dim3A_510 = vector.broadcast %jit3A_508 : f32 to vector<64x128xf32>
    %select_n3A_511 = arith.select %eq3A_506, %broadcast_in_dim3A_509, %broadcast_in_dim3A_510 : vector<64x128xi1>, vector<64x128xf32>
    %add3A_512 = arith.addf %add3A_501, %select_n3A_511 : vector<64x128xf32>
    %get3A_513 = arith.constant 47 : index
    %get3A_514 = arith.constant 0 : index
    %get3A_515 = vector.load %arg0[%get3A_513, %get3A_514] : memref<80x128xi32, #tpu.memory_space<vmem>>, vector<1x128xi32>
    %eq3A_516 = vector.broadcast %get3A_515 : vector<1x128xi32> to vector<64x128xi32>
    %eq3A_517 = arith.cmpi eq, %iota3A, %eq3A_516 : vector<64x128xi32>
    %jit3A_518 = arith.constant 1.000000e+00 : f32
    %jit3A_519 = arith.constant 0.000000e+00 : f32
    %broadcast_in_dim3A_520 = vector.broadcast %jit3A_518 : f32 to vector<64x128xf32>
    %broadcast_in_dim3A_521 = vector.broadcast %jit3A_519 : f32 to vector<64x128xf32>
    %select_n3A_522 = arith.select %eq3A_517, %broadcast_in_dim3A_520, %broadcast_in_dim3A_521 : vector<64x128xi1>, vector<64x128xf32>
    %add3A_523 = arith.addf %add3A_512, %select_n3A_522 : vector<64x128xf32>
    %get3A_524 = arith.constant 48 : index
    %get3A_525 = arith.constant 0 : index
    %get3A_526 = vector.load %arg0[%get3A_524, %get3A_525] : memref<80x128xi32, #tpu.memory_space<vmem>>, vector<1x128xi32>
    %eq3A_527 = vector.broadcast %get3A_526 : vector<1x128xi32> to vector<64x128xi32>
    %eq3A_528 = arith.cmpi eq, %iota3A, %eq3A_527 : vector<64x128xi32>
    %jit3A_529 = arith.constant 1.000000e+00 : f32
    %jit3A_530 = arith.constant 0.000000e+00 : f32
    %broadcast_in_dim3A_531 = vector.broadcast %jit3A_529 : f32 to vector<64x128xf32>
    %broadcast_in_dim3A_532 = vector.broadcast %jit3A_530 : f32 to vector<64x128xf32>
    %select_n3A_533 = arith.select %eq3A_528, %broadcast_in_dim3A_531, %broadcast_in_dim3A_532 : vector<64x128xi1>, vector<64x128xf32>
    %add3A_534 = arith.addf %add3A_523, %select_n3A_533 : vector<64x128xf32>
    %get3A_535 = arith.constant 49 : index
    %get3A_536 = arith.constant 0 : index
    %get3A_537 = vector.load %arg0[%get3A_535, %get3A_536] : memref<80x128xi32, #tpu.memory_space<vmem>>, vector<1x128xi32>
    %eq3A_538 = vector.broadcast %get3A_537 : vector<1x128xi32> to vector<64x128xi32>
    %eq3A_539 = arith.cmpi eq, %iota3A, %eq3A_538 : vector<64x128xi32>
    %jit3A_540 = arith.constant 1.000000e+00 : f32
    %jit3A_541 = arith.constant 0.000000e+00 : f32
    %broadcast_in_dim3A_542 = vector.broadcast %jit3A_540 : f32 to vector<64x128xf32>
    %broadcast_in_dim3A_543 = vector.broadcast %jit3A_541 : f32 to vector<64x128xf32>
    %select_n3A_544 = arith.select %eq3A_539, %broadcast_in_dim3A_542, %broadcast_in_dim3A_543 : vector<64x128xi1>, vector<64x128xf32>
    %add3A_545 = arith.addf %add3A_534, %select_n3A_544 : vector<64x128xf32>
    %get3A_546 = arith.constant 50 : index
    %get3A_547 = arith.constant 0 : index
    %get3A_548 = vector.load %arg0[%get3A_546, %get3A_547] : memref<80x128xi32, #tpu.memory_space<vmem>>, vector<1x128xi32>
    %eq3A_549 = vector.broadcast %get3A_548 : vector<1x128xi32> to vector<64x128xi32>
    %eq3A_550 = arith.cmpi eq, %iota3A, %eq3A_549 : vector<64x128xi32>
    %jit3A_551 = arith.constant 1.000000e+00 : f32
    %jit3A_552 = arith.constant 0.000000e+00 : f32
    %broadcast_in_dim3A_553 = vector.broadcast %jit3A_551 : f32 to vector<64x128xf32>
    %broadcast_in_dim3A_554 = vector.broadcast %jit3A_552 : f32 to vector<64x128xf32>
    %select_n3A_555 = arith.select %eq3A_550, %broadcast_in_dim3A_553, %broadcast_in_dim3A_554 : vector<64x128xi1>, vector<64x128xf32>
    %add3A_556 = arith.addf %add3A_545, %select_n3A_555 : vector<64x128xf32>
    %get3A_557 = arith.constant 51 : index
    %get3A_558 = arith.constant 0 : index
    %get3A_559 = vector.load %arg0[%get3A_557, %get3A_558] : memref<80x128xi32, #tpu.memory_space<vmem>>, vector<1x128xi32>
    %eq3A_560 = vector.broadcast %get3A_559 : vector<1x128xi32> to vector<64x128xi32>
    %eq3A_561 = arith.cmpi eq, %iota3A, %eq3A_560 : vector<64x128xi32>
    %jit3A_562 = arith.constant 1.000000e+00 : f32
    %jit3A_563 = arith.constant 0.000000e+00 : f32
    %broadcast_in_dim3A_564 = vector.broadcast %jit3A_562 : f32 to vector<64x128xf32>
    %broadcast_in_dim3A_565 = vector.broadcast %jit3A_563 : f32 to vector<64x128xf32>
    %select_n3A_566 = arith.select %eq3A_561, %broadcast_in_dim3A_564, %broadcast_in_dim3A_565 : vector<64x128xi1>, vector<64x128xf32>
    %add3A_567 = arith.addf %add3A_556, %select_n3A_566 : vector<64x128xf32>
    %get3A_568 = arith.constant 52 : index
    %get3A_569 = arith.constant 0 : index
    %get3A_570 = vector.load %arg0[%get3A_568, %get3A_569] : memref<80x128xi32, #tpu.memory_space<vmem>>, vector<1x128xi32>
    %eq3A_571 = vector.broadcast %get3A_570 : vector<1x128xi32> to vector<64x128xi32>
    %eq3A_572 = arith.cmpi eq, %iota3A, %eq3A_571 : vector<64x128xi32>
    %jit3A_573 = arith.constant 1.000000e+00 : f32
    %jit3A_574 = arith.constant 0.000000e+00 : f32
    %broadcast_in_dim3A_575 = vector.broadcast %jit3A_573 : f32 to vector<64x128xf32>
    %broadcast_in_dim3A_576 = vector.broadcast %jit3A_574 : f32 to vector<64x128xf32>
    %select_n3A_577 = arith.select %eq3A_572, %broadcast_in_dim3A_575, %broadcast_in_dim3A_576 : vector<64x128xi1>, vector<64x128xf32>
    %add3A_578 = arith.addf %add3A_567, %select_n3A_577 : vector<64x128xf32>
    %get3A_579 = arith.constant 53 : index
    %get3A_580 = arith.constant 0 : index
    %get3A_581 = vector.load %arg0[%get3A_579, %get3A_580] : memref<80x128xi32, #tpu.memory_space<vmem>>, vector<1x128xi32>
    %eq3A_582 = vector.broadcast %get3A_581 : vector<1x128xi32> to vector<64x128xi32>
    %eq3A_583 = arith.cmpi eq, %iota3A, %eq3A_582 : vector<64x128xi32>
    %jit3A_584 = arith.constant 1.000000e+00 : f32
    %jit3A_585 = arith.constant 0.000000e+00 : f32
    %broadcast_in_dim3A_586 = vector.broadcast %jit3A_584 : f32 to vector<64x128xf32>
    %broadcast_in_dim3A_587 = vector.broadcast %jit3A_585 : f32 to vector<64x128xf32>
    %select_n3A_588 = arith.select %eq3A_583, %broadcast_in_dim3A_586, %broadcast_in_dim3A_587 : vector<64x128xi1>, vector<64x128xf32>
    %add3A_589 = arith.addf %add3A_578, %select_n3A_588 : vector<64x128xf32>
    %get3A_590 = arith.constant 54 : index
    %get3A_591 = arith.constant 0 : index
    %get3A_592 = vector.load %arg0[%get3A_590, %get3A_591] : memref<80x128xi32, #tpu.memory_space<vmem>>, vector<1x128xi32>
    %eq3A_593 = vector.broadcast %get3A_592 : vector<1x128xi32> to vector<64x128xi32>
    %eq3A_594 = arith.cmpi eq, %iota3A, %eq3A_593 : vector<64x128xi32>
    %jit3A_595 = arith.constant 1.000000e+00 : f32
    %jit3A_596 = arith.constant 0.000000e+00 : f32
    %broadcast_in_dim3A_597 = vector.broadcast %jit3A_595 : f32 to vector<64x128xf32>
    %broadcast_in_dim3A_598 = vector.broadcast %jit3A_596 : f32 to vector<64x128xf32>
    %select_n3A_599 = arith.select %eq3A_594, %broadcast_in_dim3A_597, %broadcast_in_dim3A_598 : vector<64x128xi1>, vector<64x128xf32>
    %add3A_600 = arith.addf %add3A_589, %select_n3A_599 : vector<64x128xf32>
    %get3A_601 = arith.constant 55 : index
    %get3A_602 = arith.constant 0 : index
    %get3A_603 = vector.load %arg0[%get3A_601, %get3A_602] : memref<80x128xi32, #tpu.memory_space<vmem>>, vector<1x128xi32>
    %eq3A_604 = vector.broadcast %get3A_603 : vector<1x128xi32> to vector<64x128xi32>
    %eq3A_605 = arith.cmpi eq, %iota3A, %eq3A_604 : vector<64x128xi32>
    %jit3A_606 = arith.constant 1.000000e+00 : f32
    %jit3A_607 = arith.constant 0.000000e+00 : f32
    %broadcast_in_dim3A_608 = vector.broadcast %jit3A_606 : f32 to vector<64x128xf32>
    %broadcast_in_dim3A_609 = vector.broadcast %jit3A_607 : f32 to vector<64x128xf32>
    %select_n3A_610 = arith.select %eq3A_605, %broadcast_in_dim3A_608, %broadcast_in_dim3A_609 : vector<64x128xi1>, vector<64x128xf32>
    %add3A_611 = arith.addf %add3A_600, %select_n3A_610 : vector<64x128xf32>
    %get3A_612 = arith.constant 56 : index
    %get3A_613 = arith.constant 0 : index
    %get3A_614 = vector.load %arg0[%get3A_612, %get3A_613] : memref<80x128xi32, #tpu.memory_space<vmem>>, vector<1x128xi32>
    %eq3A_615 = vector.broadcast %get3A_614 : vector<1x128xi32> to vector<64x128xi32>
    %eq3A_616 = arith.cmpi eq, %iota3A, %eq3A_615 : vector<64x128xi32>
    %jit3A_617 = arith.constant 1.000000e+00 : f32
    %jit3A_618 = arith.constant 0.000000e+00 : f32
    %broadcast_in_dim3A_619 = vector.broadcast %jit3A_617 : f32 to vector<64x128xf32>
    %broadcast_in_dim3A_620 = vector.broadcast %jit3A_618 : f32 to vector<64x128xf32>
    %select_n3A_621 = arith.select %eq3A_616, %broadcast_in_dim3A_619, %broadcast_in_dim3A_620 : vector<64x128xi1>, vector<64x128xf32>
    %add3A_622 = arith.addf %add3A_611, %select_n3A_621 : vector<64x128xf32>
    %get3A_623 = arith.constant 57 : index
    %get3A_624 = arith.constant 0 : index
    %get3A_625 = vector.load %arg0[%get3A_623, %get3A_624] : memref<80x128xi32, #tpu.memory_space<vmem>>, vector<1x128xi32>
    %eq3A_626 = vector.broadcast %get3A_625 : vector<1x128xi32> to vector<64x128xi32>
    %eq3A_627 = arith.cmpi eq, %iota3A, %eq3A_626 : vector<64x128xi32>
    %jit3A_628 = arith.constant 1.000000e+00 : f32
    %jit3A_629 = arith.constant 0.000000e+00 : f32
    %broadcast_in_dim3A_630 = vector.broadcast %jit3A_628 : f32 to vector<64x128xf32>
    %broadcast_in_dim3A_631 = vector.broadcast %jit3A_629 : f32 to vector<64x128xf32>
    %select_n3A_632 = arith.select %eq3A_627, %broadcast_in_dim3A_630, %broadcast_in_dim3A_631 : vector<64x128xi1>, vector<64x128xf32>
    %add3A_633 = arith.addf %add3A_622, %select_n3A_632 : vector<64x128xf32>
    %get3A_634 = arith.constant 58 : index
    %get3A_635 = arith.constant 0 : index
    %get3A_636 = vector.load %arg0[%get3A_634, %get3A_635] : memref<80x128xi32, #tpu.memory_space<vmem>>, vector<1x128xi32>
    %eq3A_637 = vector.broadcast %get3A_636 : vector<1x128xi32> to vector<64x128xi32>
    %eq3A_638 = arith.cmpi eq, %iota3A, %eq3A_637 : vector<64x128xi32>
    %jit3A_639 = arith.constant 1.000000e+00 : f32
    %jit3A_640 = arith.constant 0.000000e+00 : f32
    %broadcast_in_dim3A_641 = vector.broadcast %jit3A_639 : f32 to vector<64x128xf32>
    %broadcast_in_dim3A_642 = vector.broadcast %jit3A_640 : f32 to vector<64x128xf32>
    %select_n3A_643 = arith.select %eq3A_638, %broadcast_in_dim3A_641, %broadcast_in_dim3A_642 : vector<64x128xi1>, vector<64x128xf32>
    %add3A_644 = arith.addf %add3A_633, %select_n3A_643 : vector<64x128xf32>
    %get3A_645 = arith.constant 59 : index
    %get3A_646 = arith.constant 0 : index
    %get3A_647 = vector.load %arg0[%get3A_645, %get3A_646] : memref<80x128xi32, #tpu.memory_space<vmem>>, vector<1x128xi32>
    %eq3A_648 = vector.broadcast %get3A_647 : vector<1x128xi32> to vector<64x128xi32>
    %eq3A_649 = arith.cmpi eq, %iota3A, %eq3A_648 : vector<64x128xi32>
    %jit3A_650 = arith.constant 1.000000e+00 : f32
    %jit3A_651 = arith.constant 0.000000e+00 : f32
    %broadcast_in_dim3A_652 = vector.broadcast %jit3A_650 : f32 to vector<64x128xf32>
    %broadcast_in_dim3A_653 = vector.broadcast %jit3A_651 : f32 to vector<64x128xf32>
    %select_n3A_654 = arith.select %eq3A_649, %broadcast_in_dim3A_652, %broadcast_in_dim3A_653 : vector<64x128xi1>, vector<64x128xf32>
    %add3A_655 = arith.addf %add3A_644, %select_n3A_654 : vector<64x128xf32>
    %get3A_656 = arith.constant 60 : index
    %get3A_657 = arith.constant 0 : index
    %get3A_658 = vector.load %arg0[%get3A_656, %get3A_657] : memref<80x128xi32, #tpu.memory_space<vmem>>, vector<1x128xi32>
    %eq3A_659 = vector.broadcast %get3A_658 : vector<1x128xi32> to vector<64x128xi32>
    %eq3A_660 = arith.cmpi eq, %iota3A, %eq3A_659 : vector<64x128xi32>
    %jit3A_661 = arith.constant 1.000000e+00 : f32
    %jit3A_662 = arith.constant 0.000000e+00 : f32
    %broadcast_in_dim3A_663 = vector.broadcast %jit3A_661 : f32 to vector<64x128xf32>
    %broadcast_in_dim3A_664 = vector.broadcast %jit3A_662 : f32 to vector<64x128xf32>
    %select_n3A_665 = arith.select %eq3A_660, %broadcast_in_dim3A_663, %broadcast_in_dim3A_664 : vector<64x128xi1>, vector<64x128xf32>
    %add3A_666 = arith.addf %add3A_655, %select_n3A_665 : vector<64x128xf32>
    %get3A_667 = arith.constant 61 : index
    %get3A_668 = arith.constant 0 : index
    %get3A_669 = vector.load %arg0[%get3A_667, %get3A_668] : memref<80x128xi32, #tpu.memory_space<vmem>>, vector<1x128xi32>
    %eq3A_670 = vector.broadcast %get3A_669 : vector<1x128xi32> to vector<64x128xi32>
    %eq3A_671 = arith.cmpi eq, %iota3A, %eq3A_670 : vector<64x128xi32>
    %jit3A_672 = arith.constant 1.000000e+00 : f32
    %jit3A_673 = arith.constant 0.000000e+00 : f32
    %broadcast_in_dim3A_674 = vector.broadcast %jit3A_672 : f32 to vector<64x128xf32>
    %broadcast_in_dim3A_675 = vector.broadcast %jit3A_673 : f32 to vector<64x128xf32>
    %select_n3A_676 = arith.select %eq3A_671, %broadcast_in_dim3A_674, %broadcast_in_dim3A_675 : vector<64x128xi1>, vector<64x128xf32>
    %add3A_677 = arith.addf %add3A_666, %select_n3A_676 : vector<64x128xf32>
    %get3A_678 = arith.constant 62 : index
    %get3A_679 = arith.constant 0 : index
    %get3A_680 = vector.load %arg0[%get3A_678, %get3A_679] : memref<80x128xi32, #tpu.memory_space<vmem>>, vector<1x128xi32>
    %eq3A_681 = vector.broadcast %get3A_680 : vector<1x128xi32> to vector<64x128xi32>
    %eq3A_682 = arith.cmpi eq, %iota3A, %eq3A_681 : vector<64x128xi32>
    %jit3A_683 = arith.constant 1.000000e+00 : f32
    %jit3A_684 = arith.constant 0.000000e+00 : f32
    %broadcast_in_dim3A_685 = vector.broadcast %jit3A_683 : f32 to vector<64x128xf32>
    %broadcast_in_dim3A_686 = vector.broadcast %jit3A_684 : f32 to vector<64x128xf32>
    %select_n3A_687 = arith.select %eq3A_682, %broadcast_in_dim3A_685, %broadcast_in_dim3A_686 : vector<64x128xi1>, vector<64x128xf32>
    %add3A_688 = arith.addf %add3A_677, %select_n3A_687 : vector<64x128xf32>
    %get3A_689 = arith.constant 63 : index
    %get3A_690 = arith.constant 0 : index
    %get3A_691 = vector.load %arg0[%get3A_689, %get3A_690] : memref<80x128xi32, #tpu.memory_space<vmem>>, vector<1x128xi32>
    %eq3A_692 = vector.broadcast %get3A_691 : vector<1x128xi32> to vector<64x128xi32>
    %eq3A_693 = arith.cmpi eq, %iota3A, %eq3A_692 : vector<64x128xi32>
    %jit3A_694 = arith.constant 1.000000e+00 : f32
    %jit3A_695 = arith.constant 0.000000e+00 : f32
    %broadcast_in_dim3A_696 = vector.broadcast %jit3A_694 : f32 to vector<64x128xf32>
    %broadcast_in_dim3A_697 = vector.broadcast %jit3A_695 : f32 to vector<64x128xf32>
    %select_n3A_698 = arith.select %eq3A_693, %broadcast_in_dim3A_696, %broadcast_in_dim3A_697 : vector<64x128xi1>, vector<64x128xf32>
    %add3A_699 = arith.addf %add3A_688, %select_n3A_698 : vector<64x128xf32>
    %get3A_700 = arith.constant 64 : index
    %get3A_701 = arith.constant 0 : index
    %get3A_702 = vector.load %arg0[%get3A_700, %get3A_701] : memref<80x128xi32, #tpu.memory_space<vmem>>, vector<1x128xi32>
    %eq3A_703 = vector.broadcast %get3A_702 : vector<1x128xi32> to vector<64x128xi32>
    %eq3A_704 = arith.cmpi eq, %iota3A, %eq3A_703 : vector<64x128xi32>
    %jit3A_705 = arith.constant 1.000000e+00 : f32
    %jit3A_706 = arith.constant 0.000000e+00 : f32
    %broadcast_in_dim3A_707 = vector.broadcast %jit3A_705 : f32 to vector<64x128xf32>
    %broadcast_in_dim3A_708 = vector.broadcast %jit3A_706 : f32 to vector<64x128xf32>
    %select_n3A_709 = arith.select %eq3A_704, %broadcast_in_dim3A_707, %broadcast_in_dim3A_708 : vector<64x128xi1>, vector<64x128xf32>
    %add3A_710 = arith.addf %add3A_699, %select_n3A_709 : vector<64x128xf32>
    %get3A_711 = arith.constant 65 : index
    %get3A_712 = arith.constant 0 : index
    %get3A_713 = vector.load %arg0[%get3A_711, %get3A_712] : memref<80x128xi32, #tpu.memory_space<vmem>>, vector<1x128xi32>
    %eq3A_714 = vector.broadcast %get3A_713 : vector<1x128xi32> to vector<64x128xi32>
    %eq3A_715 = arith.cmpi eq, %iota3A, %eq3A_714 : vector<64x128xi32>
    %jit3A_716 = arith.constant 1.000000e+00 : f32
    %jit3A_717 = arith.constant 0.000000e+00 : f32
    %broadcast_in_dim3A_718 = vector.broadcast %jit3A_716 : f32 to vector<64x128xf32>
    %broadcast_in_dim3A_719 = vector.broadcast %jit3A_717 : f32 to vector<64x128xf32>
    %select_n3A_720 = arith.select %eq3A_715, %broadcast_in_dim3A_718, %broadcast_in_dim3A_719 : vector<64x128xi1>, vector<64x128xf32>
    %add3A_721 = arith.addf %add3A_710, %select_n3A_720 : vector<64x128xf32>
    %get3A_722 = arith.constant 66 : index
    %get3A_723 = arith.constant 0 : index
    %get3A_724 = vector.load %arg0[%get3A_722, %get3A_723] : memref<80x128xi32, #tpu.memory_space<vmem>>, vector<1x128xi32>
    %eq3A_725 = vector.broadcast %get3A_724 : vector<1x128xi32> to vector<64x128xi32>
    %eq3A_726 = arith.cmpi eq, %iota3A, %eq3A_725 : vector<64x128xi32>
    %jit3A_727 = arith.constant 1.000000e+00 : f32
    %jit3A_728 = arith.constant 0.000000e+00 : f32
    %broadcast_in_dim3A_729 = vector.broadcast %jit3A_727 : f32 to vector<64x128xf32>
    %broadcast_in_dim3A_730 = vector.broadcast %jit3A_728 : f32 to vector<64x128xf32>
    %select_n3A_731 = arith.select %eq3A_726, %broadcast_in_dim3A_729, %broadcast_in_dim3A_730 : vector<64x128xi1>, vector<64x128xf32>
    %add3A_732 = arith.addf %add3A_721, %select_n3A_731 : vector<64x128xf32>
    %get3A_733 = arith.constant 67 : index
    %get3A_734 = arith.constant 0 : index
    %get3A_735 = vector.load %arg0[%get3A_733, %get3A_734] : memref<80x128xi32, #tpu.memory_space<vmem>>, vector<1x128xi32>
    %eq3A_736 = vector.broadcast %get3A_735 : vector<1x128xi32> to vector<64x128xi32>
    %eq3A_737 = arith.cmpi eq, %iota3A, %eq3A_736 : vector<64x128xi32>
    %jit3A_738 = arith.constant 1.000000e+00 : f32
    %jit3A_739 = arith.constant 0.000000e+00 : f32
    %broadcast_in_dim3A_740 = vector.broadcast %jit3A_738 : f32 to vector<64x128xf32>
    %broadcast_in_dim3A_741 = vector.broadcast %jit3A_739 : f32 to vector<64x128xf32>
    %select_n3A_742 = arith.select %eq3A_737, %broadcast_in_dim3A_740, %broadcast_in_dim3A_741 : vector<64x128xi1>, vector<64x128xf32>
    %add3A_743 = arith.addf %add3A_732, %select_n3A_742 : vector<64x128xf32>
    %get3A_744 = arith.constant 68 : index
    %get3A_745 = arith.constant 0 : index
    %get3A_746 = vector.load %arg0[%get3A_744, %get3A_745] : memref<80x128xi32, #tpu.memory_space<vmem>>, vector<1x128xi32>
    %eq3A_747 = vector.broadcast %get3A_746 : vector<1x128xi32> to vector<64x128xi32>
    %eq3A_748 = arith.cmpi eq, %iota3A, %eq3A_747 : vector<64x128xi32>
    %jit3A_749 = arith.constant 1.000000e+00 : f32
    %jit3A_750 = arith.constant 0.000000e+00 : f32
    %broadcast_in_dim3A_751 = vector.broadcast %jit3A_749 : f32 to vector<64x128xf32>
    %broadcast_in_dim3A_752 = vector.broadcast %jit3A_750 : f32 to vector<64x128xf32>
    %select_n3A_753 = arith.select %eq3A_748, %broadcast_in_dim3A_751, %broadcast_in_dim3A_752 : vector<64x128xi1>, vector<64x128xf32>
    %add3A_754 = arith.addf %add3A_743, %select_n3A_753 : vector<64x128xf32>
    %get3A_755 = arith.constant 69 : index
    %get3A_756 = arith.constant 0 : index
    %get3A_757 = vector.load %arg0[%get3A_755, %get3A_756] : memref<80x128xi32, #tpu.memory_space<vmem>>, vector<1x128xi32>
    %eq3A_758 = vector.broadcast %get3A_757 : vector<1x128xi32> to vector<64x128xi32>
    %eq3A_759 = arith.cmpi eq, %iota3A, %eq3A_758 : vector<64x128xi32>
    %jit3A_760 = arith.constant 1.000000e+00 : f32
    %jit3A_761 = arith.constant 0.000000e+00 : f32
    %broadcast_in_dim3A_762 = vector.broadcast %jit3A_760 : f32 to vector<64x128xf32>
    %broadcast_in_dim3A_763 = vector.broadcast %jit3A_761 : f32 to vector<64x128xf32>
    %select_n3A_764 = arith.select %eq3A_759, %broadcast_in_dim3A_762, %broadcast_in_dim3A_763 : vector<64x128xi1>, vector<64x128xf32>
    %add3A_765 = arith.addf %add3A_754, %select_n3A_764 : vector<64x128xf32>
    %get3A_766 = arith.constant 70 : index
    %get3A_767 = arith.constant 0 : index
    %get3A_768 = vector.load %arg0[%get3A_766, %get3A_767] : memref<80x128xi32, #tpu.memory_space<vmem>>, vector<1x128xi32>
    %eq3A_769 = vector.broadcast %get3A_768 : vector<1x128xi32> to vector<64x128xi32>
    %eq3A_770 = arith.cmpi eq, %iota3A, %eq3A_769 : vector<64x128xi32>
    %jit3A_771 = arith.constant 1.000000e+00 : f32
    %jit3A_772 = arith.constant 0.000000e+00 : f32
    %broadcast_in_dim3A_773 = vector.broadcast %jit3A_771 : f32 to vector<64x128xf32>
    %broadcast_in_dim3A_774 = vector.broadcast %jit3A_772 : f32 to vector<64x128xf32>
    %select_n3A_775 = arith.select %eq3A_770, %broadcast_in_dim3A_773, %broadcast_in_dim3A_774 : vector<64x128xi1>, vector<64x128xf32>
    %add3A_776 = arith.addf %add3A_765, %select_n3A_775 : vector<64x128xf32>
    %get3A_777 = arith.constant 71 : index
    %get3A_778 = arith.constant 0 : index
    %get3A_779 = vector.load %arg0[%get3A_777, %get3A_778] : memref<80x128xi32, #tpu.memory_space<vmem>>, vector<1x128xi32>
    %eq3A_780 = vector.broadcast %get3A_779 : vector<1x128xi32> to vector<64x128xi32>
    %eq3A_781 = arith.cmpi eq, %iota3A, %eq3A_780 : vector<64x128xi32>
    %jit3A_782 = arith.constant 1.000000e+00 : f32
    %jit3A_783 = arith.constant 0.000000e+00 : f32
    %broadcast_in_dim3A_784 = vector.broadcast %jit3A_782 : f32 to vector<64x128xf32>
    %broadcast_in_dim3A_785 = vector.broadcast %jit3A_783 : f32 to vector<64x128xf32>
    %select_n3A_786 = arith.select %eq3A_781, %broadcast_in_dim3A_784, %broadcast_in_dim3A_785 : vector<64x128xi1>, vector<64x128xf32>
    %add3A_787 = arith.addf %add3A_776, %select_n3A_786 : vector<64x128xf32>
    %get3A_788 = arith.constant 72 : index
    %get3A_789 = arith.constant 0 : index
    %get3A_790 = vector.load %arg0[%get3A_788, %get3A_789] : memref<80x128xi32, #tpu.memory_space<vmem>>, vector<1x128xi32>
    %eq3A_791 = vector.broadcast %get3A_790 : vector<1x128xi32> to vector<64x128xi32>
    %eq3A_792 = arith.cmpi eq, %iota3A, %eq3A_791 : vector<64x128xi32>
    %jit3A_793 = arith.constant 1.000000e+00 : f32
    %jit3A_794 = arith.constant 0.000000e+00 : f32
    %broadcast_in_dim3A_795 = vector.broadcast %jit3A_793 : f32 to vector<64x128xf32>
    %broadcast_in_dim3A_796 = vector.broadcast %jit3A_794 : f32 to vector<64x128xf32>
    %select_n3A_797 = arith.select %eq3A_792, %broadcast_in_dim3A_795, %broadcast_in_dim3A_796 : vector<64x128xi1>, vector<64x128xf32>
    %add3A_798 = arith.addf %add3A_787, %select_n3A_797 : vector<64x128xf32>
    %get3A_799 = arith.constant 73 : index
    %get3A_800 = arith.constant 0 : index
    %get3A_801 = vector.load %arg0[%get3A_799, %get3A_800] : memref<80x128xi32, #tpu.memory_space<vmem>>, vector<1x128xi32>
    %eq3A_802 = vector.broadcast %get3A_801 : vector<1x128xi32> to vector<64x128xi32>
    %eq3A_803 = arith.cmpi eq, %iota3A, %eq3A_802 : vector<64x128xi32>
    %jit3A_804 = arith.constant 1.000000e+00 : f32
    %jit3A_805 = arith.constant 0.000000e+00 : f32
    %broadcast_in_dim3A_806 = vector.broadcast %jit3A_804 : f32 to vector<64x128xf32>
    %broadcast_in_dim3A_807 = vector.broadcast %jit3A_805 : f32 to vector<64x128xf32>
    %select_n3A_808 = arith.select %eq3A_803, %broadcast_in_dim3A_806, %broadcast_in_dim3A_807 : vector<64x128xi1>, vector<64x128xf32>
    %add3A_809 = arith.addf %add3A_798, %select_n3A_808 : vector<64x128xf32>
    %get3A_810 = arith.constant 74 : index
    %get3A_811 = arith.constant 0 : index
    %get3A_812 = vector.load %arg0[%get3A_810, %get3A_811] : memref<80x128xi32, #tpu.memory_space<vmem>>, vector<1x128xi32>
    %eq3A_813 = vector.broadcast %get3A_812 : vector<1x128xi32> to vector<64x128xi32>
    %eq3A_814 = arith.cmpi eq, %iota3A, %eq3A_813 : vector<64x128xi32>
    %jit3A_815 = arith.constant 1.000000e+00 : f32
    %jit3A_816 = arith.constant 0.000000e+00 : f32
    %broadcast_in_dim3A_817 = vector.broadcast %jit3A_815 : f32 to vector<64x128xf32>
    %broadcast_in_dim3A_818 = vector.broadcast %jit3A_816 : f32 to vector<64x128xf32>
    %select_n3A_819 = arith.select %eq3A_814, %broadcast_in_dim3A_817, %broadcast_in_dim3A_818 : vector<64x128xi1>, vector<64x128xf32>
    %add3A_820 = arith.addf %add3A_809, %select_n3A_819 : vector<64x128xf32>
    %get3A_821 = arith.constant 75 : index
    %get3A_822 = arith.constant 0 : index
    %get3A_823 = vector.load %arg0[%get3A_821, %get3A_822] : memref<80x128xi32, #tpu.memory_space<vmem>>, vector<1x128xi32>
    %eq3A_824 = vector.broadcast %get3A_823 : vector<1x128xi32> to vector<64x128xi32>
    %eq3A_825 = arith.cmpi eq, %iota3A, %eq3A_824 : vector<64x128xi32>
    %jit3A_826 = arith.constant 1.000000e+00 : f32
    %jit3A_827 = arith.constant 0.000000e+00 : f32
    %broadcast_in_dim3A_828 = vector.broadcast %jit3A_826 : f32 to vector<64x128xf32>
    %broadcast_in_dim3A_829 = vector.broadcast %jit3A_827 : f32 to vector<64x128xf32>
    %select_n3A_830 = arith.select %eq3A_825, %broadcast_in_dim3A_828, %broadcast_in_dim3A_829 : vector<64x128xi1>, vector<64x128xf32>
    %add3A_831 = arith.addf %add3A_820, %select_n3A_830 : vector<64x128xf32>
    %get3A_832 = arith.constant 76 : index
    %get3A_833 = arith.constant 0 : index
    %get3A_834 = vector.load %arg0[%get3A_832, %get3A_833] : memref<80x128xi32, #tpu.memory_space<vmem>>, vector<1x128xi32>
    %eq3A_835 = vector.broadcast %get3A_834 : vector<1x128xi32> to vector<64x128xi32>
    %eq3A_836 = arith.cmpi eq, %iota3A, %eq3A_835 : vector<64x128xi32>
    %jit3A_837 = arith.constant 1.000000e+00 : f32
    %jit3A_838 = arith.constant 0.000000e+00 : f32
    %broadcast_in_dim3A_839 = vector.broadcast %jit3A_837 : f32 to vector<64x128xf32>
    %broadcast_in_dim3A_840 = vector.broadcast %jit3A_838 : f32 to vector<64x128xf32>
    %select_n3A_841 = arith.select %eq3A_836, %broadcast_in_dim3A_839, %broadcast_in_dim3A_840 : vector<64x128xi1>, vector<64x128xf32>
    %add3A_842 = arith.addf %add3A_831, %select_n3A_841 : vector<64x128xf32>
    %get3A_843 = arith.constant 77 : index
    %get3A_844 = arith.constant 0 : index
    %get3A_845 = vector.load %arg0[%get3A_843, %get3A_844] : memref<80x128xi32, #tpu.memory_space<vmem>>, vector<1x128xi32>
    %eq3A_846 = vector.broadcast %get3A_845 : vector<1x128xi32> to vector<64x128xi32>
    %eq3A_847 = arith.cmpi eq, %iota3A, %eq3A_846 : vector<64x128xi32>
    %jit3A_848 = arith.constant 1.000000e+00 : f32
    %jit3A_849 = arith.constant 0.000000e+00 : f32
    %broadcast_in_dim3A_850 = vector.broadcast %jit3A_848 : f32 to vector<64x128xf32>
    %broadcast_in_dim3A_851 = vector.broadcast %jit3A_849 : f32 to vector<64x128xf32>
    %select_n3A_852 = arith.select %eq3A_847, %broadcast_in_dim3A_850, %broadcast_in_dim3A_851 : vector<64x128xi1>, vector<64x128xf32>
    %add3A_853 = arith.addf %add3A_842, %select_n3A_852 : vector<64x128xf32>
    %get3A_854 = arith.constant 78 : index
    %get3A_855 = arith.constant 0 : index
    %get3A_856 = vector.load %arg0[%get3A_854, %get3A_855] : memref<80x128xi32, #tpu.memory_space<vmem>>, vector<1x128xi32>
    %eq3A_857 = vector.broadcast %get3A_856 : vector<1x128xi32> to vector<64x128xi32>
    %eq3A_858 = arith.cmpi eq, %iota3A, %eq3A_857 : vector<64x128xi32>
    %jit3A_859 = arith.constant 1.000000e+00 : f32
    %jit3A_860 = arith.constant 0.000000e+00 : f32
    %broadcast_in_dim3A_861 = vector.broadcast %jit3A_859 : f32 to vector<64x128xf32>
    %broadcast_in_dim3A_862 = vector.broadcast %jit3A_860 : f32 to vector<64x128xf32>
    %select_n3A_863 = arith.select %eq3A_858, %broadcast_in_dim3A_861, %broadcast_in_dim3A_862 : vector<64x128xi1>, vector<64x128xf32>
    %add3A_864 = arith.addf %add3A_853, %select_n3A_863 : vector<64x128xf32>
    %get3A_865 = arith.constant 79 : index
    %get3A_866 = arith.constant 0 : index
    %get3A_867 = vector.load %arg0[%get3A_865, %get3A_866] : memref<80x128xi32, #tpu.memory_space<vmem>>, vector<1x128xi32>
    %eq3A_868 = vector.broadcast %get3A_867 : vector<1x128xi32> to vector<64x128xi32>
    %eq3A_869 = arith.cmpi eq, %iota3A, %eq3A_868 : vector<64x128xi32>
    %jit3A_870 = arith.constant 1.000000e+00 : f32
    %jit3A_871 = arith.constant 0.000000e+00 : f32
    %broadcast_in_dim3A_872 = vector.broadcast %jit3A_870 : f32 to vector<64x128xf32>
    %broadcast_in_dim3A_873 = vector.broadcast %jit3A_871 : f32 to vector<64x128xf32>
    %select_n3A_874 = arith.select %eq3A_869, %broadcast_in_dim3A_872, %broadcast_in_dim3A_873 : vector<64x128xi1>, vector<64x128xf32>
    %add3A_875 = arith.addf %add3A_864, %select_n3A_874 : vector<64x128xf32>
    %reduce_sum3A = arith.constant dense<0.000000e+00> : vector<64xf32>
    %reduce_sum3A_876 = vector.multi_reduction <add>, %add3A_875, %reduce_sum3A [1] : vector<64x128xf32> to vector<64xf32>
    %broadcast_in_dim3A_877 = vector.shape_cast %reduce_sum3A_876 : vector<64xf32> to vector<64x1xf32>
    %swap3A = arith.constant 0 : index
    %swap3A_878 = arith.constant 0 : index
    %swap3A_879 = vector.load %arg1[%swap3A, %swap3A_878] : memref<64x1xf32, #tpu.memory_space<vmem>>, vector<64x1xf32>
    tpu.vector_store %arg1[%swap3A, %swap3A_878], %broadcast_in_dim3A_877 {strides = array<i32>} : memref<64x1xf32, #tpu.memory_space<vmem>>, vector<64x1xf32>,
    return
  }
}

module attributes {stable_mosaic.version = 14 : i64} {
  func.func @_mlp_body(%arg0: memref<2x80x128xf32, #tpu.memory_space<vmem>>, %arg1: memref<64x1xf32, #tpu.memory_space<vmem>>, %arg2: memref<64x128xf32, #tpu.memory_space<vmem>>, %arg3: memref<256x256xf32, #tpu.memory_space<vmem>>, %arg4: memref<1x256xf32, #tpu.memory_space<vmem>>, %arg5: memref<256x256xf32, #tpu.memory_space<vmem>>, %arg6: memref<1x256xf32, #tpu.memory_space<vmem>>, %arg7: memref<128x256xf32, #tpu.memory_space<vmem>>, %arg8: memref<1x128xf32, #tpu.memory_space<vmem>>, %arg9: memref<64x128xf32, #tpu.memory_space<vmem>>) attributes {dimension_semantics = [], scalar_prefetch = 0 : i64, scratch_operands = 0 : i64, tpu.core_type = #tpu.core_type<tc>} {
    %get3A = arith.constant 0 : index
    %get3A_0 = arith.constant 0 : index
    %get3A_1 = arith.constant 0 : index
    %get3A_2 = vector.load %arg0[%get3A, %get3A_0, %get3A_1] : memref<2x80x128xf32, #tpu.memory_space<vmem>>, vector<1x64x128xf32>
    %get3A_3 = vector.shape_cast %get3A_2 : vector<1x64x128xf32> to vector<64x128xf32>
    %get3A_4 = arith.constant 1 : index
    %get3A_5 = arith.constant 0 : index
    %get3A_6 = arith.constant 0 : index
    %get3A_7 = vector.load %arg0[%get3A_4, %get3A_5, %get3A_6] : memref<2x80x128xf32, #tpu.memory_space<vmem>>, vector<1x64x128xf32>
    %get3A_8 = vector.shape_cast %get3A_7 : vector<1x64x128xf32> to vector<64x128xf32>
    %add3A = arith.addf %get3A_3, %get3A_8 : vector<64x128xf32>
    %get3A_9 = arith.constant 0 : index
    %get3A_10 = arith.constant 0 : index
    %get3A_11 = vector.load %arg1[%get3A_9, %get3A_10] : memref<64x1xf32, #tpu.memory_space<vmem>>, vector<64x1xf32>
    %max3A = arith.constant 1.000000e+00 : f32
    %max3A_12 = vector.broadcast %max3A : f32 to vector<64x1xf32>
    %max3A_13 = arith.maximumf %get3A_11, %max3A_12 : vector<64x1xf32>
    %div3A = vector.broadcast %max3A_13 : vector<64x1xf32> to vector<64x128xf32>
    %div3A_14 = arith.divf %add3A, %div3A : vector<64x128xf32>
    %get3A_15 = arith.constant 0 : index
    %get3A_16 = arith.constant 0 : index
    %get3A_17 = vector.load %arg2[%get3A_15, %get3A_16] : memref<64x128xf32, #tpu.memory_space<vmem>>, vector<64x128xf32>
    %concatenate3A = tpu.concatenate %get3A_17, %div3A_14 in 1 : vector<64x128xf32>, vector<64x128xf32> -> vector<64x256xf32>
    %get3A_18 = arith.constant 0 : index
    %get3A_19 = arith.constant 0 : index
    %get3A_20 = vector.load %arg3[%get3A_18, %get3A_19] : memref<256x256xf32, #tpu.memory_space<vmem>>, vector<256x256xf32>
    %dot_general3A = arith.constant dense<0.000000e+00> : vector<64x256xf32>
    %dot_general3A_21 = tpu.matmul %concatenate3A, %get3A_20, %dot_general3A {dimension_numbers = #tpu.dot_dimension_numbers<[1], [1], [0], [0], [0, 0, 1, 0], [], []>, transpose_lhs_hint = false} : vector<64x256xf32>, vector<256x256xf32>, vector<64x256xf32> -> vector<64x256xf32>
    %get3A_22 = arith.constant 0 : index
    %get3A_23 = arith.constant 0 : index
    %get3A_24 = vector.load %arg4[%get3A_22, %get3A_23] : memref<1x256xf32, #tpu.memory_space<vmem>>, vector<1x256xf32>
    %add3A_25 = vector.broadcast %get3A_24 : vector<1x256xf32> to vector<64x256xf32>
    %add3A_26 = arith.addf %dot_general3A_21, %add3A_25 : vector<64x256xf32>
    %max3A_27 = arith.constant 0.000000e+00 : f32
    %max3A_28 = vector.broadcast %max3A_27 : f32 to vector<64x256xf32>
    %max3A_29 = arith.maximumf %add3A_26, %max3A_28 : vector<64x256xf32>
    %get3A_30 = arith.constant 0 : index
    %get3A_31 = arith.constant 0 : index
    %get3A_32 = vector.load %arg5[%get3A_30, %get3A_31] : memref<256x256xf32, #tpu.memory_space<vmem>>, vector<256x256xf32>
    %dot_general3A_33 = arith.constant dense<0.000000e+00> : vector<64x256xf32>
    %dot_general3A_34 = tpu.matmul %max3A_29, %get3A_32, %dot_general3A_33 {dimension_numbers = #tpu.dot_dimension_numbers<[1], [1], [0], [0], [0, 0, 1, 0], [], []>, transpose_lhs_hint = false} : vector<64x256xf32>, vector<256x256xf32>, vector<64x256xf32> -> vector<64x256xf32>
    %get3A_35 = arith.constant 0 : index
    %get3A_36 = arith.constant 0 : index
    %get3A_37 = vector.load %arg6[%get3A_35, %get3A_36] : memref<1x256xf32, #tpu.memory_space<vmem>>, vector<1x256xf32>
    %add3A_38 = vector.broadcast %get3A_37 : vector<1x256xf32> to vector<64x256xf32>
    %add3A_39 = arith.addf %dot_general3A_34, %add3A_38 : vector<64x256xf32>
    %max3A_40 = arith.constant 0.000000e+00 : f32
    %max3A_41 = vector.broadcast %max3A_40 : f32 to vector<64x256xf32>
    %max3A_42 = arith.maximumf %add3A_39, %max3A_41 : vector<64x256xf32>
    %get3A_43 = arith.constant 0 : index
    %get3A_44 = arith.constant 0 : index
    %get3A_45 = vector.load %arg7[%get3A_43, %get3A_44] : memref<128x256xf32, #tpu.memory_space<vmem>>, vector<128x256xf32>
    %dot_general3A_46 = arith.constant dense<0.000000e+00> : vector<64x128xf32>
    %dot_general3A_47 = tpu.matmul %max3A_42, %get3A_45, %dot_general3A_46 {dimension_numbers = #tpu.dot_dimension_numbers<[1], [1], [0], [0], [0, 0, 1, 0], [], []>, transpose_lhs_hint = false} : vector<64x256xf32>, vector<128x256xf32>, vector<64x128xf32> -> vector<64x128xf32>
    %get3A_48 = arith.constant 0 : index
    %get3A_49 = arith.constant 0 : index
    %get3A_50 = vector.load %arg8[%get3A_48, %get3A_49] : memref<1x128xf32, #tpu.memory_space<vmem>>, vector<1x128xf32>
    %add3A_51 = vector.broadcast %get3A_50 : vector<1x128xf32> to vector<64x128xf32>
    %add3A_52 = arith.addf %dot_general3A_47, %add3A_51 : vector<64x128xf32>
    %swap3A = arith.constant 0 : index
    %swap3A_53 = arith.constant 0 : index
    %swap3A_54 = vector.load %arg9[%swap3A, %swap3A_53] : memref<64x128xf32, #tpu.memory_space<vmem>>, vector<64x128xf32>
    tpu.vector_store %arg9[%swap3A, %swap3A_53], %add3A_52 {strides = array<i32>} : memref<64x128xf32, #tpu.memory_space<vmem>>, vector<64x128xf32>,
    return
  }
}

</mosaic_0001>

<sc_bundles>
// kernel: kernel.5.cloned.1.call-start
scs
__scs_entry_jumppad:
0x0: {  	(pc) =	sbr.rel $0x88, $3  }
0x1: {  	(tag) =	ssettag $0x0;
	lr =	simm.s32 $0x1  }
0x2: {  	[smem:$0x3F98] =	sst lr;
	_ =	strace $0xD0000000  }
0x3: {  	_ = 	snop  }
0x4: {  	_ = 	snop  }
0x5: {  	_ = 	snop  }
0x6: {  	_ = 	snop  }
0x7: {  	_ = 	snop  }
__scs_overlays_trampoline_lowered:
0x8: {  	[smem:$0x3FA7] =	sst s0  }
0x9: {  	[smem:$0x3FA8] =	sst s1  }
0xa: {  	[smem:$0x3FA9] =	sst s2  }
0xb: {  	[smem:$0x3FAA] =	sst s3  }
0xc: {  	[smem:$0x3FAB] =	sst s4  }
0xd: {  	[smem:$0x3FAC] =	sst s5  }
0xe: {  	[smem:$0x3FAD] =	sst s6  }
0xf: {  	[smem:$0x3FAE] =	sst s7  }
0x10: {  	[smem:$0x3FAF] =	sst s8  }
0x11: {  	[smem:$0x3FB0] =	sst s9;
	s0 =	simm.s32 @!p0 $0x0  }
0x12: {  	s1 =	sld [smem:$0x3F96];
	s0 =	simm.s32 @p0 $0x1  }
0x13: {  	[smem:$0x3FB1] =	sst s0;
	s0 =	simm.s32 @!p1 $0x0  }
0x14: {  	s2 =	sld [smem:$0x3F95];
	s0 =	simm.s32 @p1 $0x1  }
0x15: {  	[smem:$0x3FB2] =	sst s0;
	s0 =	simm.s32 @!p2 $0x0  }
0x16: {  	s3 =	sld [smem:$0x3FDB];
	s0 =	simm.s32 @p2 $0x1  }
0x17: {  	s4 =	simm.s32 $0x1BF5;
	[smem:$0x3FB4] =	sst s0  }
0x18: {  	s0 =	sld [smem:$0x3F97];
	_ =	swait.ge [sflag:s4], $0x0  }
0x19: {  	s7 =	sld [smem:$0x3F98]  }
0x1a: {  	s8 =	sadd.s32 $0xFFFFE003, lr  }
0x1b: {  	s9 =	sadd.s32 $0xFFFFFEF7, lr;
	s5 =	simm.s32 $0xFFFFFFFF;
	p2 =	slt.u32 s8, $0xFFFFF086  }
0x1c: {  	p1 =	slt.u32 s9, $0xF7A;
	s5 =	simm.s32 @!p2 $0x0  }
0x1d: {  	s5 =	simm.s32 @p1 $0x1;
	p0 =	seq.s32 s7, s2  }
0x1e: {  	s7 =	smul.u32 @!p0 $0xF7A, s2;
	p2 =	seq.s32 @!p0 s5, $0x0  }
0x1f: {  	s9 =	smul.u32 $0xF7A, s1;
	s8 =	simm.s32 @!p0 $0x1BF5;
	p2 =	por !p2, p0  }
0x20: {  	[sflag:s8] =	ssyncset.s32 @!p0 $0xFFFFF086;
	s6 =	sadd.s32 @!p0 s3, s7;
	s7 =	simm.s32 @!p0 $0x108  }
0x21: {  	s3 =	sadd.s32 s3, s9;
	s6 =	sadd.s32 @!p0 $0x88, s6;
	s7 =	simm.s32 @p2 $0x1082  }
0x22: {  	[simem:s7], [sflag:s8] =	dma.local @!p0 [hbm:s6], $0xF7A  }
0x23: {  	s9 =	sor.u32 $0xD0000000, s2;
	s6 =	simm.s32 $0x108;
	_ =	swait.ge @!p0 [sflag:s8], $0x0  }
0x24: {  	s3 =	sadd.s32 $0x88, s3;
	s6 =	simm.s32 @!p1 $0x1082;
	[sflag:s4] =	ssyncset.s32 $0xFFFFF086  }
0x25: {  	[simem:s6], [sflag:s4] =	dma.local [hbm:s3], $0xF7A  }
0x26: {  	[smem:$0x3F98] =	sst s1;
	(tag) =	ssettag s2;
	_ =	strace s9  }
0x27: {  	s1 =	sld [smem:$0x3FA8]  }
0x28: {  	s2 =	sld [smem:$0x3FA9]  }
0x29: {  	s4 =	sld [smem:$0x3FAB]  }
0x2a: {  	p0 =	seq.s32 s5, $0x0;
	s5 =	sld [smem:$0x3FAC]  }
0x2b: {  	s6 =	sld [smem:$0x3FAD]  }
0x2c: {  	s7 =	sld [smem:$0x3FAE]  }
0x2d: {  	s3 =	simm.s32 $0x108;
	s8 =	sld [smem:$0x3FAF]  }
0x2e: {  	s3 =	simm.s32 @!p0 $0x1082;
	s9 =	sld [smem:$0x3FB0]  }
0x2f: {  	lr =	sadd.s32 s0, s3;
	s0 =	sld [smem:$0x3FA7]  }
0x30: {  	s3 =	sld [smem:$0x3FAA]  }
0x31: {  	[smem:$0x3FB3] =	sst s10  }
0x32: {  	s10 =	sld [smem:$0x3FB1];
	_ =	sdelay $0x3  }
0x33: {  	p0 =	seq.s32 s10, $0x1;
	s10 =	sld [smem:$0x3FB3];
	_ =	sdelay $0x3  }
0x34: {  	[smem:$0x3FB3] =	sst s10  }
0x35: {  	s10 =	sld [smem:$0x3FB2];
	_ =	sdelay $0x3  }
0x36: {  	p1 =	seq.s32 s10, $0x1;
	s10 =	sld [smem:$0x3FB3];
	_ =	sdelay $0x3  }
0x37: {  	[smem:$0x3FB3] =	sst s10  }
0x38: {  	s10 =	sld [smem:$0x3FB4]  }
0x39: {  	_ = 	snop;
	(pc) =	sbr.ind lr, $3  }
0x3a: {  	_ = 	snop  }
0x3b: {  	_ = 	snop  }
0x3c: {  	p2 =	seq.s32 s10, $0x1;
	s10 =	sld [smem:$0x3FB3]  }
0x3d: {  	_ =	shalt  }
0x3e: {  	_ =	shalt  }
0x3f: {  	_ =	shalt  }
0x40: {  	_ =	shalt  }
0x41: {  	_ =	shalt  }
0x42: {  	_ =	shalt  }
0x43: {  	_ =	shalt  }
0x44: {  	_ =	shalt  }
0x45: {  	_ =	shalt  }
0x46: {  	_ =	shalt  }
0x47: {  	_ =	shalt  }
0x48: {  	_ =	shalt  }
0x49: {  	_ =	shalt  }
0x4a: {  	_ =	shalt  }
0x4b: {  	_ =	shalt  }
0x4c: {  	_ =	shalt  }
0x4d: {  	_ =	shalt  }
0x4e: {  	_ =	shalt  }
0x4f: {  	_ =	shalt  }
0x50: {  	_ =	shalt  }
0x51: {  	_ =	shalt  }
0x52: {  	_ =	shalt  }
0x53: {  	_ =	shalt  }
0x54: {  	_ =	shalt  }
0x55: {  	_ =	shalt  }
0x56: {  	_ =	shalt  }
0x57: {  	_ =	shalt  }
0x58: {  	_ =	shalt  }
0x59: {  	_ =	shalt  }
0x5a: {  	_ =	shalt  }
0x5b: {  	_ =	shalt  }
0x5c: {  	_ =	shalt  }
0x5d: {  	_ =	shalt  }
0x5e: {  	_ =	shalt  }
0x5f: {  	_ =	shalt  }
0x60: {  	_ =	shalt  }
0x61: {  	_ =	shalt  }
0x62: {  	_ =	shalt  }
0x63: {  	_ =	shalt  }
0x64: {  	_ =	shalt  }
0x65: {  	_ =	shalt  }
0x66: {  	_ =	shalt  }
0x67: {  	_ =	shalt  }
0x68: {  	_ =	shalt  }
0x69: {  	_ =	shalt  }
0x6a: {  	_ =	shalt  }
0x6b: {  	_ =	shalt  }
0x6c: {  	_ =	shalt  }
0x6d: {  	_ =	shalt  }
0x6e: {  	_ =	shalt  }
0x6f: {  	_ =	shalt  }
0x70: {  	_ =	shalt  }
0x71: {  	_ =	shalt  }
0x72: {  	_ =	shalt  }
0x73: {  	_ =	shalt  }
0x74: {  	_ =	shalt  }
0x75: {  	_ =	shalt  }
0x76: {  	_ =	shalt  }
0x77: {  	_ =	shalt  }
0x78: {  	_ =	shalt  }
0x79: {  	_ =	shalt  }
0x7a: {  	_ =	shalt  }
0x7b: {  	_ =	shalt  }
0x7c: {  	_ =	shalt  }
0x7d: {  	_ =	shalt  }
0x7e: {  	_ =	shalt  }
0x7f: {  	_ =	shalt  }
0x80: {  	_ =	shalt  }
0x81: {  	_ =	shalt  }
0x82: {  	_ =	shalt  }
0x83: {  	_ =	shalt  }
0x84: {  	_ =	shalt  }
0x85: {  	_ =	shalt  }
0x86: {  	_ =	shalt  }
0x87: {  	_ =	shalt  }
.Lfunc_end0:
.L_simem_size_0:
called_computation_lowered:
.L_overlay_start_0:
0x88: {  	s2 =	sld [smem:$0x3FD9]  }
0x89: {  	s3 =	sld [smem:$0x3FFE];
	_ =	sdelay $0x1  }
0x8a: {  	s1 =	srdreg.scid  }
0x8b: {  	s0 =	sand.u32 $0x1, s1  }
0x8c: {  	s17 =	sshll.u32 s0, $0xA;
	s2 =	sadd.s32 s3, s2  }
0x8d: {  	s2 =	sadd.s32 s2, s17  }
0x8e: {  	[smem:$0x3FBF] =	sst s2  }
0x8f: {  	_ = 	snop  }
0x90: {  	s2 =	sld [smem:$0x3FC9]  }
0x91: {  	s18 =	sld [smem:$0x3FC7];
	(tm) =	ssettm $0x1  }
0x92: {  	s4 =	sld [smem:$0x3FFB];
	_ =	sdelay $0x3  }
0x93: {  	_ =	strace s4  }
0x94: {  	s4 =	sld [smem:$0x3FFC];
	_ =	sdelay $0x3  }
0x95: {  	_ =	strace s4  }
0x96: {  	s4 =	sld [smem:$0x3FFD];
	_ =	sdelay $0x3  }
0x97: {  	_ =	strace s4  }
0x98: {  	_ =	strace $0x8FFFFFFF  }
0x99: {  	s19 =	sld [smem:$0x3FDB];
	_ =	sdelay $0x1  }
0x9a: {  	s5 =	simm.s32 $_scs_section_size  }
0x9b: {  	s6 =	simm.s32 $_size__tile_overlayer_lowered;
	s7 =	simm.s32 $_tile_overlayer_lowered  }
0x9c: {  	s22 =	simm.s32 $0x1BFF;
	s21 =	sshll.u32 s7, $0x1;
	s4 =	sadd.s32 s5, s19  }
0x9d: {  	s8 =	simm.s32 $0x0;
	s20 =	sshll.u32 s6, $0x1;
	s6 =	sadd.s32 s21, s4  }
0x9e: {  	[timem:s8], [sflag:s22] =	dma.local [hbm:s6], s20  }
0x9f: {  	_ =	swait.ge [sflag:s22], s20  }
0xa0: {  	s5 =	ssub.s32 $0x0, s20;
	[sflag:s22] =	ssyncset.done $0x0  }
0xa1: {  	[sflag:s22] =	ssyncadd.s32 s5;
	_ =	sdelay $0x1  }
0xa2: {  	s23 =	simm.s32 $0x1B8B  }
0xa3: {  	_ =	swait.ge [sflag:s23], $0x1  }
0xa4: {  	[sflag:s23] =	ssyncset.done $0x0  }
0xa5: {  	s25 =	simm.s32 $0x1B8E;
	s24 =	sld [smem:$0x3FFE];
	[sflag:s23] =	ssyncadd.s32 $0xFFFFFFFF  }
0xa6: {  	s26 =	simm.s32 $execute0_lowered;
	[smem:$0x3FD2] =	sst s25  }
0xa7: {  	s6 =	sshll.u32 s26, $0x1;
	_ =	strace $0x80000046;
	[dreg:$0x1] =	wrdreg $0xFFFFFFFF  }
0xa8: {  	s28 =	simm.s32 $_size_execute0_lowered;
	s4 =	sadd.s32 s4, s6;
	[dreg:$0x0] =	wrdreg $0x0  }
0xa9: {  	s6 =	sshll.u32 s28, $0x1;
	[dreg:$0x2] =	wrdreg s4  }
0xaa: {  	[dreg:$0x3] =	wrdreg s6  }
0xab: {  	[dreg:$0x4] =	wrdreg $0xC0  }
0xac: {  	_ =	task [dreg:s8], $0x5FFFF  }
0xad: {  	[dreg:$0x1] =	wrdreg $0xFFFFFFFF  }
0xae: {  	[dreg:$0x0] =	wrdreg $0x60  }
0xaf: {  	[dreg:$0x2] =	wrdreg s2  }
0xb0: {  	[dreg:$0x3] =	wrdreg s18  }
0xb1: {  	[dreg:$0x4] =	wrdreg s24  }
0xb2: {  	[dreg:$0x5] =	wrdreg $0xA6000  }
0xb3: {  	[dreg:$0x6] =	wrdreg $0x9  }
0xb4: {  	_ =	task.clear_ibuf [dreg:s8], $0x7FFFF;
	_ =	strace $0x90000046  }
0xb5: {  	s29 =	simm.s32 $0x9;
	_ =	strace $0x80000048  }
0xb6: {  	_ =	swait.ge [sflag:s29], $0x1  }
0xb7: {  	[sflag:s29] =	ssyncadd.s32 $0xFFFFFFFF  }
0xb8: {  	_ =	strace $0x90000048  }
0xb9: {  	_ =	sfence  }
0xba: {  	s30 =	sld [smem:$0x0];
	_ =	sdelay $0x2  }
0xbb: {  	s31 =	sshll.u32 s1, $0xD;
	s1 =	sshrl.u32 s1, $0x2  }
0xbc: {  	s3 =	sand.u32 $0x4000, s31;
	s1 =	sadd.s32 s1, s30  }
0xbd: {  	s0 =	sor.u32 s3, s0;
	s1 =	sshll.u32 s1, $0x11  }
0xbe: {  	s0 =	sor.u32 s1, s0  }
0xbf: {  	s0 =	sadd.s32 $0x8F2B, s0  }
0xc0: {  	[sflag:s0] =	ssyncadd.remote.s32 $0x1  }
0xc1: {  	_ =	sfence.sel $0xFFFF  }
0xc2: {  	[dreg:$0x0] =	wrdreg $0xFFFFFFFF;
	(pc) =	sbr.abs _section_cstart, $3  }
0xc3: {  	[dreg:$0x1] =	wrdreg $0xFFFFFFFF  }
0xc4: {  	_ =	task.clear_ibuf [dreg:s8], $0x2FFFF;
	_ =	strace $0x9FFFFFFF  }
0xc5: {  	(tm) =	ssettm $0x7FFFFFFF  }
tec
execute0_lowered:
.L_overlay_start_1:
0x0: {  	(tag) =	ssettag $0x1  }
0x1: {  	s0 =	rddreg [dreg:$0x0]  }
0x2: {  	s4 =	rddreg [dreg:$0x1]  }
0x3: {  	s1 =	srdreg.scid;
	s5 =	stileid.u32  }
0x4: {  	s6 =	rddreg [dreg:$0x2];
	s15 =	simm.s32 $0xA000;
	s16 =	simm.s32 $0xA080  }
0x5: {  	s28 =	simm.s32 $0x3;
	s29 =	simm.s32 $0x0;
	s3 =	sand.u32 $0x1, s1  }
0x6: {  	s2 =	sshll.u32 s5, $0x1;
	s1 =	rddreg [dreg:$0x3];
	s12 =	smul.u32 $0xA00, s5  }
0x7: {  	p0 =	sne.s32 s5, $0x0;
	s7 =	sor.u32 s3, s2;
	s17 =	smul.u32 $0x500, s3  }
0x8: {  	s2 =	simm.s32 $0x0;
	s8 =	ssub.s32 $0x2, s3;
	s22 =	smul.u32 $0x140, s7  }
0x9: {  	[smem:$0x7FF] =	sst s2;
	s18 =	sshrl.u32 s8, $0x1;
	s31 =	sshrl.u32 s12, $0x2  }
0xa: {  	_ =	strace $0x80000047;
	s6 =	sadd.s32 s17, s6;
	s14 =	ssub.s32 s8, s18  }
0xb: {  	s12 =	sadd.s32 s31, s1;
	s17 =	simm.s32 $0xA100;
	s18 =	simm.s32 $0xA180  }
0xc: {  	s3 =	smin.u32 s22, $0x25D0;
	s13 =	sadd.s32 $0x1600, s6;
	s14 =	smax.u32 s14, $0x1  }
0xd: {  	s9 =	sshrl.u32 s3, $0x3;
	s20 =	sadd.s32 $0x50, s3;
	s10 =	sadd.s32 $0xA0, s3  }
0xe: {  	s11 =	sadd.s32 $0xF0, s3;
	s25 =	sshll.u32 s3, $0x4;
	s19 =	sadd.s32 s4, s9  }
0xf: {  	s21 =	sshrl.u32 s20, $0x3;
	s23 =	sshrl.u32 s10, $0x3;
	s24 =	sshrl.u32 s11, $0x3  }
0x10: {  	s8 =	sadd.s32 s0, s25;
	s26 =	sshll.u32 s20, $0x4;
	s30 =	sshll.u32 s10, $0x4  }
0x11: {  	s11 =	sshll.u32 s11, $0x4;
	s20 =	simm.s32 $0x5000;
	s25 =	simm.s32 $0x1  }
0x12: {  	[dreg:$0x5] =	wrdreg s19;
	s7 =	sadd.s32 s4, s21;
	s9 =	sadd.s32 s0, s26  }
0x13: {  	s10 =	sadd.s32 s0, s30;
	s11 =	sadd.s32 s0, s11;
	s19 =	simm.s32 $0x2800  }
0x14: {  	s21 =	simm.s32 $0x7800;
	[dreg:$0x6] =	wrdreg s7;
	s7 =	sadd.s32 s4, s23  }
0x15: {  	v0 =	vlaneseq.u32;
	s26 =	simm.s32 $0x50;
	s4 =	sadd.s32 s4, s24;
	[dreg:$0x7] =	wrdreg s7  }
0x16: {  	v2 =	vimm.f32 $0.0e+00;
	v3 =	vor.u32 $0x40, v0;
	v1 =	vmov s22;
	s23 =	simm.s32 $0x4;
	s24 =	simm.s32 $0x2;
	[dreg:$0x8] =	wrdreg s4  }
.LBB2_1:
0x17: {  	s0 =	rddreg [dreg:$0x5]  }
0x18: {  	[tilespmem:s15], [sflag:$0x2] =	stream.linear.gather [hbm4b:s0+s2], $0x50, $0x38;
	[tilespmem:$0xA880] =	vst v63  }
0x19: {  	s22 =	rddreg [dreg:$0x6]  }
0x1a: {  	[tilespmem:s16], [sflag:$0x2] =	stream.linear.gather [hbm4b:s22+s2], $0x50, $0x38;
	[tilespmem:$0xA880] =	vst v63  }
0x1b: {  	s4 =	rddreg [dreg:$0x7]  }
0x1c: {  	[tilespmem:s17], [sflag:$0x2] =	stream.linear.gather [hbm4b:s4+s2], $0x50, $0x38;
	[tilespmem:$0xA880] =	vst v63  }
0x1d: {  	s5 =	rddreg [dreg:$0x8]  }
0x1e: {  	[tilespmem:s18], [sflag:$0x2] =	stream.linear.gather [hbm4b:s5+s2], $0x50, $0x38;
	[tilespmem:$0xA880] =	vst v63  }
0x1f: {  	_ = 	snop  }
0x20: {  	[tilespmem:s2], [sflag:$0x1] =	stream.linear.gather [hbm4b:s8+s2], $0x2800, $0x38;
	[tilespmem:$0xA880] =	vst v63  }
0x21: {  	_ = 	snop  }
0x22: {  	[tilespmem:s19], [sflag:$0x1] =	stream.linear.gather [hbm4b:s9+s2], $0x2800, $0x38;
	[tilespmem:$0xA880] =	vst v63  }
0x23: {  	_ = 	snop  }
0x24: {  	[tilespmem:s20], [sflag:$0x1] =	stream.linear.gather [hbm4b:s10+s2], $0x2800, $0x38;
	[tilespmem:$0xA880] =	vst v63  }
0x25: {  	_ = 	snop  }
0x26: {  	[tilespmem:s21], [sflag:$0x1] =	stream.linear.gather [hbm4b:s11+s2], $0x2800, $0x38;
	[tilespmem:$0xA880] =	vst v63  }
0x27: {  	[tilespmem:$0xA200] =	vst v2  }
0x28: {  	[tilespmem:$0xA210] =	vst v2  }
0x29: {  	[tilespmem:$0xA220] =	vst v2  }
0x2a: {  	[tilespmem:$0xA230] =	vst v2  }
0x2b: {  	[tilespmem:$0xA240] =	vst v2  }
0x2c: {  	[tilespmem:$0xA250] =	vst v2  }
0x2d: {  	[tilespmem:$0xA260] =	vst v2  }
0x2e: {  	[tilespmem:$0xA270] =	vst v2  }
0x2f: {  	[tilespmem:$0xA280] =	vst v2  }
0x30: {  	[tilespmem:$0xA290] =	vst v2  }
0x31: {  	[tilespmem:$0xA2A0] =	vst v2  }
0x32: {  	[tilespmem:$0xA2B0] =	vst v2  }
0x33: {  	[tilespmem:$0xA2C0] =	vst v2  }
0x34: {  	[tilespmem:$0xA2D0] =	vst v2  }
0x35: {  	[tilespmem:$0xA2E0] =	vst v2  }
0x36: {  	[tilespmem:$0xA2F0] =	vst v2  }
0x37: {  	[tilespmem:$0xA300] =	vst v2  }
0x38: {  	[tilespmem:$0xA310] =	vst v2  }
0x39: {  	[tilespmem:$0xA320] =	vst v2  }
0x3a: {  	[tilespmem:$0xA330] =	vst v2  }
0x3b: {  	[tilespmem:$0xA340] =	vst v2  }
0x3c: {  	[tilespmem:$0xA350] =	vst v2  }
0x3d: {  	[tilespmem:$0xA360] =	vst v2  }
0x3e: {  	[tilespmem:$0xA370] =	vst v2  }
0x3f: {  	[tilespmem:$0xA380] =	vst v2  }
0x40: {  	[tilespmem:$0xA390] =	vst v2  }
0x41: {  	[tilespmem:$0xA3A0] =	vst v2  }
0x42: {  	[tilespmem:$0xA3B0] =	vst v2  }
0x43: {  	[tilespmem:$0xA3C0] =	vst v2  }
0x44: {  	[tilespmem:$0xA3D0] =	vst v2  }
0x45: {  	[tilespmem:$0xA3E0] =	vst v2  }
0x46: {  	[tilespmem:$0xA3F0] =	vst v2  }
0x47: {  	[tilespmem:$0xA400] =	vst v2  }
0x48: {  	[tilespmem:$0xA410] =	vst v2  }
0x49: {  	[tilespmem:$0xA420] =	vst v2  }
0x4a: {  	[tilespmem:$0xA430] =	vst v2  }
0x4b: {  	[tilespmem:$0xA440] =	vst v2  }
0x4c: {  	[tilespmem:$0xA450] =	vst v2  }
0x4d: {  	[tilespmem:$0xA460] =	vst v2  }
0x4e: {  	s6 =	simm.s32 $0xA200;
	[tilespmem:$0xA470] =	vst v2  }
0x4f: {  	[spmem:s12] =	stream.linear.scatter [tilespmem:s6], [sflag:$0x4], $0x280, $0x38;
	[tilespmem:$0xA880] =	vst v63  }
0x50: {  	_ =	swait.ge [sflag:s23], $0x280  }
0x51: {  	[sflag:s23] =	ssyncset.done $0x0  }
0x52: {  	[sflag:s23] =	ssyncadd.s32 $0xFFFFFD80  }
0x53: {  	_ =	swait.ge [sflag:s24], $0x50  }
0x54: {  	[sflag:s24] =	ssyncset.done $0x0  }
0x55: {  	[sflag:s24] =	ssyncadd.s32 $0xFFFFFFB0  }
0x56: {  	s7 =	smul.u32 $0xCD, s2;
	_ =	swait.ge [sflag:s24], $0x50  }
0x57: {  	[sflag:s24] =	ssyncset.done $0x0  }
0x58: {  	s0 =	sshrl.u32 s7, $0xA;
	[sflag:s24] =	ssyncadd.s32 $0xFFFFFFB0  }
0x59: {  	s4 =	smul.u32 $0x5, s0;
	_ =	swait.ge [sflag:s24], $0x50  }
0x5a: {  	s0 =	sand.u32 $0x3F, s0;
	[sflag:s24] =	ssyncset.done $0x0  }
0x5b: {  	s4 =	ssub.s32 $0x0, s4;
	s5 =	simm.s32 $0x1;
	[sflag:s24] =	ssyncadd.s32 $0xFFFFFFB0  }
0x5c: {  	s4 =	sshll.u32 s4, $0x4;
	s5 =	smul.u32 $0xCD, s5;
	_ =	swait.ge [sflag:s24], $0x50  }
0x5d: {  	s4 =	sand.u32 $0xF0, s4;
	s6 =	sshll.u32 s0, $0x7;
	[sflag:s24] =	ssyncset.done $0x0  }
0x5e: {  	s0 =	smul.u32 $0x50, s0;
	s30 =	sor.u32 s4, s6;
	[sflag:s24] =	ssyncadd.s32 $0xFFFFFFB0  }
0x5f: {  	s5 =	sshrl.u32 s5, $0xA;
	v4 =	vld [tilespmem:s30+$0xA000]  }
0x60: {  	s22 =	smul.u32 $0x5, s5;
	s0 =	sadd.s32 s3, s0  }
0x61: {  	s0 =	sadd.s32 s4, s0  }
0x62: {  	s31 =	simm.s32 $0x2;
	s7 =	ssub.s32 $0x1, s22;
	v5 =	vor.u32 s0, v0  }
0x63: {  	s5 =	sand.u32 $0x3F, s5;
	s22 =	smul.u32 $0xCD, s31;
	s4 =	sshll.u32 s7, $0x4;
	vm0 =	vlt.u32 v5, v1  }
0x64: {  	s6 =	sshll.u32 s5, $0x7;
	s0 =	simm.s32 $0x3;
	s4 =	sand.u32 $0xF0, s4;
	v4 =	vsel vm0, v3, v4  }
.LBB2_2:
0x65: {  	p1 =	sne.s32 s0, $0x13  }
0x66: {  	s5 =	smul.u32 $0x50, s5;
	[tilespmem:s30+$0xA000] =	vst v4;
	s30 =	sor.u32 s4, s6;
	s6 =	sshrl.u32 s22, $0xA  }
0x67: {  	v4 =	vld [tilespmem:s30+$0xA000];
	s22 =	smul.u32 $0x5, s6  }
.Ltmp0:
0x68: {  	s5 =	sadd.s32 s3, s5;
	(pc) =	sbr.rel @p1 .LBB2_2-.Ltmp0, $4  }
0x69: {  	s4 =	sadd.s32 s4, s5  }
0x6a: {  	s7 =	ssub.s32 s31, s22;
	s31 =	smov.u32 s0;
	v5 =	vor.u32 s4, v0  }
0x6b: {  	s22 =	smul.u32 $0xCD, s0;
	s5 =	sand.u32 $0x3F, s6;
	s4 =	sshll.u32 s7, $0x4;
	vm0 =	vlt.u32 v5, v1  }
0x6c: {  	s0 =	sadd.s32 $0x1, s0;
	s6 =	sshll.u32 s5, $0x7;
	s4 =	sand.u32 $0xF0, s4;
	v4 =	vsel vm0, v3, v4  }
0x6d: {  	s0 =	sor.u32 s4, s6;
	s5 =	smul.u32 $0x50, s5;
	[tilespmem:s30+$0xA000] =	vst v4  }
0x6e: {  	s30 =	sshrl.u32 s22, $0xA;
	v4 =	vld [tilespmem:s0+$0xA000]  }
0x6f: {  	s7 =	smul.u32 $0x5, s30;
	s5 =	sadd.s32 s3, s5  }
0x70: {  	s5 =	sadd.s32 s4, s5  }
0x71: {  	s22 =	ssub.s32 s31, s7;
	v5 =	vor.u32 s5, v0  }
0x72: {  	s30 =	sand.u32 $0x3F, s30;
	s5 =	sshll.u32 s22, $0x4;
	vm0 =	vlt.u32 v5, v1  }
0x73: {  	s6 =	sshll.u32 s30, $0x7;
	s5 =	sand.u32 $0xF0, s5;
	v4 =	vsel vm0, v3, v4  }
0x74: {  	s4 =	smul.u32 $0x50, s30;
	s6 =	sor.u32 s5, s6;
	[tilespmem:s0+$0xA000] =	vst v4  }
0x75: {  	v4 =	vld [tilespmem:s6+$0xA000]  }
0x76: {  	s31 =	sadd.s32 s3, s4  }
0x77: {  	s0 =	sadd.s32 s5, s31  }
0x78: {  	v5 =	vor.u32 s0, v0  }
0x79: {  	vm15 =	vlt.u32 v5, v1  }
0x7a: {  	v4 =	vsel vm15, v3, v4  }
0x7b: {  	[tilespmem:s6+$0xA000] =	vst v4  }
0x7c: {  	[bflag:$0x0] =	sbarrier.arrive $0xFFFF  }
0x7d: {  	_ =	swait.ge [sflag:s25], $0x2800  }
0x7e: {  	[sflag:s25] =	ssyncset.done $0x0  }
0x7f: {  	[sflag:s25] =	ssyncadd.s32 $0xFFFFD800  }
0x80: {  	[spmem:s1] =	stream.indirect.scatter.add.f32 [tilespmem:s2], [sflag:$0x3], $0x80, s15, s26, $0xb8;
	[tilespmem:$0xA880] =	vst v63  }
0x81: {  	_ =	swait.ge [sflag:s25], $0x2800  }
0x82: {  	[sflag:s25] =	ssyncset.done $0x0  }
0x83: {  	[sflag:s25] =	ssyncadd.s32 $0xFFFFD800  }
0x84: {  	[spmem:s1] =	stream.indirect.scatter.add.f32 [tilespmem:s19], [sflag:$0x3], $0x80, s16, s26, $0xb8;
	[tilespmem:$0xA880] =	vst v63  }
0x85: {  	_ =	swait.ge [sflag:s25], $0x2800  }
0x86: {  	[sflag:s25] =	ssyncset.done $0x0  }
0x87: {  	[sflag:s25] =	ssyncadd.s32 $0xFFFFD800  }
0x88: {  	[spmem:s1] =	stream.indirect.scatter.add.f32 [tilespmem:s20], [sflag:$0x3], $0x80, s17, s26, $0xb8;
	[tilespmem:$0xA880] =	vst v63  }
0x89: {  	_ =	swait.ge [sflag:s25], $0x2800  }
0x8a: {  	[sflag:s25] =	ssyncset.done $0x0  }
0x8b: {  	[sflag:s25] =	ssyncadd.s32 $0xFFFFD800  }
0x8c: {  	[spmem:s1] =	stream.indirect.scatter.add.f32 [tilespmem:s21], [sflag:$0x3], $0x80, s18, s26, $0xb8;
	[tilespmem:$0xA880] =	vst v63  }
0x8d: {  	_ =	swait.ge [sflag:s28], $0x2800  }
0x8e: {  	[sflag:s28] =	ssyncset.done $0x0  }
0x8f: {  	[sflag:s28] =	ssyncadd.s32 $0xFFFFD800  }
0x90: {  	_ =	swait.ge [sflag:s28], $0x2800  }
0x91: {  	[sflag:s28] =	ssyncset.done $0x0  }
0x92: {  	[sflag:s28] =	ssyncadd.s32 $0xFFFFD800  }
0x93: {  	_ =	swait.ge [sflag:s28], $0x2800  }
0x94: {  	[sflag:s28] =	ssyncset.done $0x0  }
0x95: {  	[sflag:s28] =	ssyncadd.s32 $0xFFFFD800  }
0x96: {  	_ =	swait.ge [sflag:s28], $0x2800  }
0x97: {  	s29 =	sadd.s32 $0x1, s29;
	[sflag:s28] =	ssyncset.done $0x0  }
0x98: {  	p1 =	sne.s32 s29, s14;
	[sflag:s28] =	ssyncadd.s32 $0xFFFFD800  }
0x99: {  	s4 =	simm.s32 @!p0 $0x1C04;
	s0 =	sshrl.u32 @!p0 s1, $0x3;
	[bflag:$0x0] =	sbarrier.arrive $0xFFFF  }
0x9a: {  	[hbm:s13], [sflag:s4] =	dma.local @!p0 [spmem:s0], $0x500  }
.Ltmp1:
0x9b: {  	_ = 	snop;
	(pc) =	sbr.rel @p1 .LBB2_1-.Ltmp1, $4  }
0x9c: {  	s0 =	simm.s32 @!p0 $0x4  }
0x9d: {  	_ =	swait.ge @!p0 [sflag:s0], $0x500  }
0x9e: {  	[sflag:s0] =	ssyncset.done @!p0 $0x0  }
0x9f: {  	[sflag:s0] =	ssyncadd.s32 @!p0 $0xFFFFFB00  }
0xa0: {  	_ =	sfence.sel $0x180000  }
0xa1: {  	[bflag:$0x0] =	sbarrier.arrive $0xFFFF  }
0xa2: {  	_ =	strace $0x90000047  }
0xa3: {  	[bflag:$0x2] =	sbarrier.arrive $0xFFFF  }
0xa4: {  	s0 =	rddreg [dreg:$0x4]  }
0xa5: {  	s0 =	sadd.s32 @!p0 $0x100000, s0  }
0xa6: {  	[sflag:s0] =	ssyncadd.tile.s32 @!p0 $0x1;
	_ =	shalt  }
.Lfunc_end2:
_tile_overlayer_lowered:
.L_overlay_start_2:
0xa7: {  	(tag) =	ssettag $0x2  }
0xa8: {  	s0 =	rddreg [dreg:$0x0];
	s2 =	stileid.u32  }
0xa9: {  	s1 =	rddreg [dreg:$0x1];
	p0 =	sne.s32 s2, $0x0  }
0xaa: {  	s3 =	rddreg [dreg:$0x2];
	[bflag:$0x3] =	sbarrier.arrive $0xFFFF;
	s2 =	simm.s32 @!p0 $0x1C04  }
0xab: {  	[timem:s3], [sflag:s2] =	dma.local @!p0 [hbm:s0], s1  }
0xac: {  	s0 =	simm.s32 @!p0 $0x4  }
0xad: {  	_ =	swait.ge @!p0 [sflag:s0], s1  }
0xae: {  	s1 =	ssub.s32 @!p0 $0x0, s1;
	[sflag:s0] =	ssyncset.done @!p0 $0x0  }
0xaf: {  	[sflag:s0] =	ssyncadd.s32 @!p0 s1  }
0xb0: {  	[bflag:$0x3] =	sbarrier.arrive $0xFFFF  }
0xb1: {  	_ =	shalt  }

</sc_bundles>
